<compile_context>
chip_gen: v7x
topology: tpu7x:2x2x1
jax: 0.10.2.dev20260603
libtpu: 0.0.44.dev20260713+nightly
codegen_flags: <defaults>
</compile_context>

<pallas_src>
import functools

import jax
import jax.numpy as jnp
from jax import lax
from jax.experimental import pallas as pl
from jax.experimental.pallas import tpu as pltpu
from jax.experimental.pallas import tpu_sc as plsc

NC = 2
NS = 16
NW = NC * NS
K = 128
RS = 3


def _sc_kernel(x_hbm, rec_hbm, gg_hbm, z_hbm, z1_hbm,
               part_hbm, gpart_hbm,
               rec_v, gg_v, rows_v, acc, gacc,
               sem_t, sem_g, sem_s, sem_q,
               *, ch, n_pad, d):
    cid = lax.axis_index("c")
    sid = lax.axis_index("s")
    wid = sid * NC + cid
    rpt = n_pad // NS

    pltpu.sync_copy(z_hbm, acc.at[pl.ds(sid * rpt, rpt)])
    pltpu.sync_copy(z1_hbm, gacc.at[pl.ds(sid * rpt, rpt)])
    plsc.subcore_barrier()

    def stage_start(c):
        pltpu.async_copy(rec_hbm.at[wid, c], rec_v.at[c % RS], sem_t)
        pltpu.async_copy(gg_hbm.at[wid, c], gg_v.at[c % RS], sem_t)

    def stage_wait(c):
        pltpu.make_async_copy(rec_hbm.at[wid, c], rec_v.at[c % RS],
                              sem_t).wait()
        pltpu.make_async_copy(gg_hbm.at[wid, c], gg_v.at[c % RS],
                              sem_t).wait()

    def gather_start(c):
        pltpu.async_copy(x_hbm.at[rec_v.at[c % RS, 0]], rows_v.at[c % 2],
                         sem_g)

    def gather_wait(c):
        pltpu.make_async_copy(x_hbm.at[rec_v.at[c % RS, 0]],
                              rows_v.at[c % 2], sem_g).wait()

    def scatter_start(c):
        pltpu.async_copy(gg_v.at[c % RS, 0], gacc.at[rec_v.at[c % RS, 1]],
                         sem_q, add=True)
        pltpu.async_copy(rows_v.at[c % 2], acc.at[rec_v.at[c % RS, 1]],
                         sem_s, add=True)

    def scatter_wait(c):
        pltpu.make_async_copy(gg_v.at[c % RS, 0],
                              gacc.at[rec_v.at[c % RS, 1]], sem_q).wait()
        pltpu.make_async_copy(rows_v.at[c % 2], acc.at[rec_v.at[c % RS, 1]],
                              sem_s).wait()

    stage_start(0)
    @pl.when(ch > 1)
    def _():
        stage_start(1)
    stage_wait(0)
    gather_start(0)

    def chunk_body(c, _):
        b = c % 2

        @pl.when(c >= 1)
        def _():
            scatter_wait(c - 1)

        @pl.when(c + 1 < ch)
        def _():
            stage_wait(c + 1)
            gather_start(c + 1)

        @pl.when(c + 2 < ch)
        def _():
            stage_start(c + 2)

        gather_wait(c)

        def scale_body(jj, _):
            for rr in range(8):
                gb = gg_v[c % RS, 1 + jj, pl.ds(rr * 16, 16)]
                r = jj * 8 + rr
                for j in range(d // 16):
                    sl = pl.ds(j * 16, 16)
                    rows_v[b, r, sl] = rows_v[b, r, sl] * gb
            return 0
        lax.fori_loop(0, K // 8, scale_body, 0)

        scatter_start(c)
        return 0

    lax.fori_loop(0, ch, chunk_body, 0)
    scatter_wait(ch - 1)
    plsc.subcore_barrier()

    sl = pl.ds(sid * rpt, rpt)
    pltpu.sync_copy(acc.at[sl], part_hbm.at[cid, sl])
    pltpu.sync_copy(gacc.at[sl],
                    gpart_hbm.at[pl.ds(cid * n_pad + sid * rpt, rpt)])


def _combine_kernel(p_ref, gp_ref, x_ref, o_ref):
    gs = gp_ref[:, 0] + gp_ref[:, 1]
    o_ref[...] = p_ref[0] + p_ref[1] - (1.0 + gs)[:, None] * x_ref[...]


@jax.jit
def kernel(x, g, edge_index):
    n, d = x.shape
    e = g.shape[0]
    dst = edge_index[0]
    src = edge_index[1]

    ch = -(-e // (NW * K))
    e_pad = NW * K * ch
    n_pad = -(-n // (NS * K)) * (NS * K)
    rpt = n_pad // NS

    pad = e_pad - e
    src_p = jnp.concatenate([src, jnp.zeros((pad,), jnp.int32)]).reshape(NW, ch, K)
    dst_p = jnp.concatenate([dst, jnp.zeros((pad,), jnp.int32)]).reshape(NW, ch, K)
    g_p = jnp.concatenate([g, jnp.zeros((pad,), jnp.float32)]).reshape(NW, ch, K)
    rec = jnp.stack([src_p, dst_p], axis=2)
    gbc = jnp.broadcast_to(g_p[..., None], (NW, ch, K, 16))
    gg_p = jnp.concatenate([g_p[:, :, None, :],
                            gbc.reshape(NW, ch, 16, K)], axis=2)
    z = jnp.zeros((rpt, d), jnp.float32)
    z1 = jnp.zeros((rpt,), jnp.float32)

    mesh = plsc.VectorSubcoreMesh(core_axis_name="c", subcore_axis_name="s",
                                  num_cores=NC, num_subcores=NS)
    part, gpart = pl.kernel(
        functools.partial(_sc_kernel, ch=ch, n_pad=n_pad, d=d),
        out_type=(jax.ShapeDtypeStruct((NC, n_pad, d), jnp.float32),
                  jax.ShapeDtypeStruct((NC * n_pad,), jnp.float32)),
        mesh=mesh,
        scratch_types=[
            pltpu.VMEM((RS, 2, K), jnp.int32),
            pltpu.VMEM((RS, 17, K), jnp.float32),
            pltpu.VMEM((2, K, d), jnp.float32),
            pltpu.VMEM_SHARED((n_pad, d), jnp.float32),
            pltpu.VMEM_SHARED((n_pad,), jnp.float32),
            pltpu.SemaphoreType.DMA,
            pltpu.SemaphoreType.DMA,
            pltpu.SemaphoreType.DMA,
            pltpu.SemaphoreType.DMA,
        ],
    )(x, rec, gg_p, z, z1)

    rb = 80
    out = pl.pallas_call(
        _combine_kernel,
        grid=(n // rb,),
        in_specs=[
            pl.BlockSpec((NC, rb, d), lambda i: (0, i, 0)),
            pl.BlockSpec((rb, NC), lambda i: (i, 0)),
            pl.BlockSpec((rb, d), lambda i: (i, 0)),
        ],
        out_specs=pl.BlockSpec((rb, d), lambda i: (i, 0)),
        out_shape=jax.ShapeDtypeStruct((n, d), jnp.float32),
    )(part, gpart.reshape(NC, n_pad).T, x)

    return out

# --- scband reference (transcript-rebuilt; emitter-appended) ---
"""Pipeline reference for scband-branch-64965675319817 (READ-ONLY COPY).

The authoritative reference and input builder live on the scoring server;
editing this copy changes nothing except your own understanding.
"""

import jax, jax.numpy as jnp
import numpy as np

N = 10000
E = 320000
D = 128

def setup_inputs(seed: int = 0) -> dict:
    key = jax.random.key(seed)
    k1, k2, k3 = jax.random.split(key, 3)
    x = jax.random.normal(k1, (N, D), dtype=jnp.float32)
    # conductances g_ij > 0 per directed edge (the torch Branch stores both (i,j) and (j,i))
    g = jax.random.uniform(k3, (E,), dtype=jnp.float32)
    edge_index = jax.random.randint(k2, (2, E), 0, N, dtype=jnp.int32)
    return {"x": x, "g": g, "edge_index": edge_index}

def reference(x, g, edge_index):
    # Branch.vf(t, u): du_c[i] = compartment_vf(v_i) + sum_j g_ij * (v_j - v_i)
    # dst = i (destination compartment receiving the coupling current), src = j (neighbor)
    dst = edge_index[0]
    src = edge_index[1]
    # local compartment vector field (leak dynamics, c.vf per child)
    du_local = -x
    # diffusive/conductive coupling: g_ij * (u[j] - u[i]) scatter-added into du[i]
    msg = g[:, None] * (x[src] - x[dst])
    coupling = jax.ops.segment_sum(msg, dst, num_segments=N)
    return du_local + coupling

if __name__ == "__main__":
    import jax
    _d = setup_inputs()
    print(jax.jit(kernel)(*tuple(_d.values())))

</pallas_src>

<mosaic_0001>
#map = affine_map<(d0, d1) -> (0, 0)>
#map1 = affine_map<(d0, d1) -> (0, 0, 0, 0)>
#map2 = affine_map<(d0, d1) -> (0)>
#map3 = affine_map<(d0, d1) -> (0, 0, 0)>
module attributes {stable_mosaic.version = 14 : i64} {
  func.func @_sc_kernel(%arg0: i32, %arg1: i32, %arg2: memref<10000x128xf32, #tpu.memory_space<hbm>>, %arg3: memref<32x79x2x128xi32, #tpu.memory_space<hbm>>, %arg4: memref<32x79x17x128xf32, #tpu.memory_space<hbm>>, %arg5: memref<640x128xf32, #tpu.memory_space<hbm>>, %arg6: memref<640xf32, #tpu.memory_space<hbm>>, %arg7: memref<2x10240x128xf32, #tpu.memory_space<hbm>>, %arg8: memref<20480xf32, #tpu.memory_space<hbm>>, %arg9: memref<3x2x128xi32, #tpu.memory_space<vmem>>, %arg10: memref<3x17x128xf32, #tpu.memory_space<vmem>>, %arg11: memref<2x128x128xf32, #tpu.memory_space<vmem>>, %arg12: memref<10240x128xf32, #tpu.memory_space<vmem_shared>>, %arg13: memref<10240xf32, #tpu.memory_space<vmem_shared>>, %arg14: memref<!tpu.dma_semaphore, #tpu.memory_space<semaphore_mem>>, %arg15: memref<!tpu.dma_semaphore, #tpu.memory_space<semaphore_mem>>, %arg16: memref<!tpu.dma_semaphore, #tpu.memory_space<semaphore_mem>>, %arg17: memref<!tpu.dma_semaphore, #tpu.memory_space<semaphore_mem>>) attributes {dimension_semantics = [#tpu.dimension_semantics<core_parallel>, #tpu.dimension_semantics<subcore_parallel>], iteration_bounds = array<i64: 2, 16>, scalar_prefetch = 0 : i64, scratch_operands = 9 : i64, tpu.core_type = #tpu.core_type<sc_vector_subcore>, window_params = [{transform_indices = #map}, {transform_indices = #map1}, {transform_indices = #map1}, {transform_indices = #map}, {transform_indices = #map2}, {transform_indices = #map3}, {transform_indices = #map2}]} {
    %mul3A = arith.constant 2 : i32
    %mul3A_0 = arith.muli %arg1, %mul3A : i32
    %add3A = arith.addi %mul3A_0, %arg0 : i32
    %mul3A_1 = arith.constant 640 : i32
    %mul3A_2 = arith.muli %arg1, %mul3A_1 : i32
    "tpu.region"() ({
      %run_scoped3A = tpu.sem_alloc : memref<!tpu.dma_semaphore, #tpu.memory_space<semaphore_mem>>
      %dma_start3A_163 = arith.constant 0 : i32
      %dma_start3A_164 = tpu.memref_slice %arg12[%mul3A_2, %dma_start3A_163] : memref<10240x128xf32, #tpu.memory_space<vmem_shared>> -> memref<640x128xf32, #tpu.memory_space<vmem_shared>>
      tpu.enqueue_dma source(%arg5 : memref<640x128xf32, #tpu.memory_space<hbm>>) target(%dma_start3A_164 : memref<640x128xf32, #tpu.memory_space<vmem_shared>>) target_semaphore(%run_scoped3A : memref<!tpu.dma_semaphore, #tpu.memory_space<semaphore_mem>>)
      %dma_wait3A_165 = arith.constant 0 : i32
      %dma_wait3A_166 = tpu.memref_slice %arg12[%mul3A_2, %dma_wait3A_165] : memref<10240x128xf32, #tpu.memory_space<vmem_shared>> -> memref<640x128xf32, #tpu.memory_space<vmem_shared>>
      tpu.wait_dma2 semaphore(%run_scoped3A : memref<!tpu.dma_semaphore, #tpu.memory_space<semaphore_mem>>) src(%arg5 : memref<640x128xf32, #tpu.memory_space<hbm>>) dst(%dma_wait3A_166 : memref<640x128xf32, #tpu.memory_space<vmem_shared>>)
      tpu.yield
    }) : () -> ()
    %mul3A_3 = arith.constant 640 : i32
    %mul3A_4 = arith.muli %arg1, %mul3A_3 : i32
    "tpu.region"() ({
      %run_scoped3A = tpu.sem_alloc : memref<!tpu.dma_semaphore, #tpu.memory_space<semaphore_mem>>
      %dma_start3A_163 = tpu.memref_slice %arg13[%mul3A_4] : memref<10240xf32, #tpu.memory_space<vmem_shared>> -> memref<640xf32, #tpu.memory_space<vmem_shared>>
      tpu.enqueue_dma source(%arg6 : memref<640xf32, #tpu.memory_space<hbm>>) target(%dma_start3A_163 : memref<640xf32, #tpu.memory_space<vmem_shared>>) target_semaphore(%run_scoped3A : memref<!tpu.dma_semaphore, #tpu.memory_space<semaphore_mem>>)
      %dma_wait3A_164 = tpu.memref_slice %arg13[%mul3A_4] : memref<10240xf32, #tpu.memory_space<vmem_shared>> -> memref<640xf32, #tpu.memory_space<vmem_shared>>
      tpu.wait_dma2 semaphore(%run_scoped3A : memref<!tpu.dma_semaphore, #tpu.memory_space<semaphore_mem>>) src(%arg6 : memref<640xf32, #tpu.memory_space<hbm>>) dst(%dma_wait3A_164 : memref<640xf32, #tpu.memory_space<vmem_shared>>)
      tpu.yield
    }) : () -> ()
    %barrier3A = arith.constant 0 : index
    tpu.barrier barrier_id(%barrier3A)
    %dma_start3A = arith.constant 0 : i32
    %dma_start3A_5 = arith.constant 0 : i32
    %dma_start3A_6 = arith.constant 0 : i32
    %dma_start3A_7 = arith.constant 0 : i32
    %dma_start3A_8 = tpu.memref_slice %arg9[%dma_start3A_5, %dma_start3A_6, %dma_start3A_7] : memref<3x2x128xi32, #tpu.memory_space<vmem>> -> memref<1x2x128xi32, #tpu.memory_space<vmem>>
    %dma_start3A_9 = tpu.memref_squeeze %dma_start3A_8 : memref<1x2x128xi32, #tpu.memory_space<vmem>> -> memref<2x128xi32, #tpu.memory_space<vmem>>
    %dma_start3A_10 = arith.constant 0 : i32
    %dma_start3A_11 = arith.constant 0 : i32
    %dma_start3A_12 = tpu.memref_slice %arg3[%add3A, %dma_start3A, %dma_start3A_10, %dma_start3A_11] : memref<32x79x2x128xi32, #tpu.memory_space<hbm>> -> memref<1x1x2x128xi32, #tpu.memory_space<hbm>>
    %dma_start3A_13 = tpu.memref_squeeze %dma_start3A_12 : memref<1x1x2x128xi32, #tpu.memory_space<hbm>> -> memref<2x128xi32, #tpu.memory_space<hbm>>
    %dma_start3A_14 = arith.constant 0 : i32
    %dma_start3A_15 = arith.constant 0 : i32
    %dma_start3A_16 = tpu.memref_slice %arg9[%dma_start3A_5, %dma_start3A_14, %dma_start3A_15] : memref<3x2x128xi32, #tpu.memory_space<vmem>> -> memref<1x2x128xi32, #tpu.memory_space<vmem>>
    %dma_start3A_17 = tpu.memref_squeeze %dma_start3A_16 : memref<1x2x128xi32, #tpu.memory_space<vmem>> -> memref<2x128xi32, #tpu.memory_space<vmem>>
    %dma_start3A_18 = arith.constant 0 : i32
    %dma_start3A_19 = arith.constant 0 : i32
    %dma_start3A_20 = tpu.memref_slice %arg3[%add3A, %dma_start3A, %dma_start3A_18, %dma_start3A_19] : memref<32x79x2x128xi32, #tpu.memory_space<hbm>> -> memref<1x1x2x128xi32, #tpu.memory_space<hbm>>
    %dma_start3A_21 = tpu.memref_squeeze %dma_start3A_20 : memref<1x1x2x128xi32, #tpu.memory_space<hbm>> -> memref<2x128xi32, #tpu.memory_space<hbm>>
    tpu.enqueue_dma source(%dma_start3A_21 : memref<2x128xi32, #tpu.memory_space<hbm>>) target(%dma_start3A_17 : memref<2x128xi32, #tpu.memory_space<vmem>>) target_semaphore(%arg14 : memref<!tpu.dma_semaphore, #tpu.memory_space<semaphore_mem>>)
    %dma_start3A_22 = arith.constant 0 : i32
    %dma_start3A_23 = arith.constant 0 : i32
    %dma_start3A_24 = arith.constant 0 : i32
    %dma_start3A_25 = arith.constant 0 : i32
    %dma_start3A_26 = tpu.memref_slice %arg10[%dma_start3A_23, %dma_start3A_24, %dma_start3A_25] : memref<3x17x128xf32, #tpu.memory_space<vmem>> -> memref<1x17x128xf32, #tpu.memory_space<vmem>>
    %dma_start3A_27 = tpu.memref_squeeze %dma_start3A_26 : memref<1x17x128xf32, #tpu.memory_space<vmem>> -> memref<17x128xf32, #tpu.memory_space<vmem>>
    %dma_start3A_28 = arith.constant 0 : i32
    %dma_start3A_29 = arith.constant 0 : i32
    %dma_start3A_30 = tpu.memref_slice %arg4[%add3A, %dma_start3A_22, %dma_start3A_28, %dma_start3A_29] : memref<32x79x17x128xf32, #tpu.memory_space<hbm>> -> memref<1x1x17x128xf32, #tpu.memory_space<hbm>>
    %dma_start3A_31 = tpu.memref_squeeze %dma_start3A_30 : memref<1x1x17x128xf32, #tpu.memory_space<hbm>> -> memref<17x128xf32, #tpu.memory_space<hbm>>
    %dma_start3A_32 = arith.constant 0 : i32
    %dma_start3A_33 = arith.constant 0 : i32
    %dma_start3A_34 = tpu.memref_slice %arg10[%dma_start3A_23, %dma_start3A_32, %dma_start3A_33] : memref<3x17x128xf32, #tpu.memory_space<vmem>> -> memref<1x17x128xf32, #tpu.memory_space<vmem>>
    %dma_start3A_35 = tpu.memref_squeeze %dma_start3A_34 : memref<1x17x128xf32, #tpu.memory_space<vmem>> -> memref<17x128xf32, #tpu.memory_space<vmem>>
    %dma_start3A_36 = arith.constant 0 : i32
    %dma_start3A_37 = arith.constant 0 : i32
    %dma_start3A_38 = tpu.memref_slice %arg4[%add3A, %dma_start3A_22, %dma_start3A_36, %dma_start3A_37] : memref<32x79x17x128xf32, #tpu.memory_space<hbm>> -> memref<1x1x17x128xf32, #tpu.memory_space<hbm>>
    %dma_start3A_39 = tpu.memref_squeeze %dma_start3A_38 : memref<1x1x17x128xf32, #tpu.memory_space<hbm>> -> memref<17x128xf32, #tpu.memory_space<hbm>>
    tpu.enqueue_dma source(%dma_start3A_39 : memref<17x128xf32, #tpu.memory_space<hbm>>) target(%dma_start3A_35 : memref<17x128xf32, #tpu.memory_space<vmem>>) target_semaphore(%arg14 : memref<!tpu.dma_semaphore, #tpu.memory_space<semaphore_mem>>)
    %dma_start3A_40 = arith.constant 1 : i32
    %dma_start3A_41 = arith.constant 1 : i32
    %dma_start3A_42 = arith.constant 0 : i32
    %dma_start3A_43 = arith.constant 0 : i32
    %dma_start3A_44 = tpu.memref_slice %arg9[%dma_start3A_41, %dma_start3A_42, %dma_start3A_43] : memref<3x2x128xi32, #tpu.memory_space<vmem>> -> memref<1x2x128xi32, #tpu.memory_space<vmem>>
    %dma_start3A_45 = tpu.memref_squeeze %dma_start3A_44 : memref<1x2x128xi32, #tpu.memory_space<vmem>> -> memref<2x128xi32, #tpu.memory_space<vmem>>
    %dma_start3A_46 = arith.constant 0 : i32
    %dma_start3A_47 = arith.constant 0 : i32
    %dma_start3A_48 = tpu.memref_slice %arg3[%add3A, %dma_start3A_40, %dma_start3A_46, %dma_start3A_47] : memref<32x79x2x128xi32, #tpu.memory_space<hbm>> -> memref<1x1x2x128xi32, #tpu.memory_space<hbm>>
    %dma_start3A_49 = tpu.memref_squeeze %dma_start3A_48 : memref<1x1x2x128xi32, #tpu.memory_space<hbm>> -> memref<2x128xi32, #tpu.memory_space<hbm>>
    %dma_start3A_50 = arith.constant 0 : i32
    %dma_start3A_51 = arith.constant 0 : i32
    %dma_start3A_52 = tpu.memref_slice %arg9[%dma_start3A_41, %dma_start3A_50, %dma_start3A_51] : memref<3x2x128xi32, #tpu.memory_space<vmem>> -> memref<1x2x128xi32, #tpu.memory_space<vmem>>
    %dma_start3A_53 = tpu.memref_squeeze %dma_start3A_52 : memref<1x2x128xi32, #tpu.memory_space<vmem>> -> memref<2x128xi32, #tpu.memory_space<vmem>>
    %dma_start3A_54 = arith.constant 0 : i32
    %dma_start3A_55 = arith.constant 0 : i32
    %dma_start3A_56 = tpu.memref_slice %arg3[%add3A, %dma_start3A_40, %dma_start3A_54, %dma_start3A_55] : memref<32x79x2x128xi32, #tpu.memory_space<hbm>> -> memref<1x1x2x128xi32, #tpu.memory_space<hbm>>
    %dma_start3A_57 = tpu.memref_squeeze %dma_start3A_56 : memref<1x1x2x128xi32, #tpu.memory_space<hbm>> -> memref<2x128xi32, #tpu.memory_space<hbm>>
    tpu.enqueue_dma source(%dma_start3A_57 : memref<2x128xi32, #tpu.memory_space<hbm>>) target(%dma_start3A_53 : memref<2x128xi32, #tpu.memory_space<vmem>>) target_semaphore(%arg14 : memref<!tpu.dma_semaphore, #tpu.memory_space<semaphore_mem>>)
    %dma_start3A_58 = arith.constant 1 : i32
    %dma_start3A_59 = arith.constant 1 : i32
    %dma_start3A_60 = arith.constant 0 : i32
    %dma_start3A_61 = arith.constant 0 : i32
    %dma_start3A_62 = tpu.memref_slice %arg10[%dma_start3A_59, %dma_start3A_60, %dma_start3A_61] : memref<3x17x128xf32, #tpu.memory_space<vmem>> -> memref<1x17x128xf32, #tpu.memory_space<vmem>>
    %dma_start3A_63 = tpu.memref_squeeze %dma_start3A_62 : memref<1x17x128xf32, #tpu.memory_space<vmem>> -> memref<17x128xf32, #tpu.memory_space<vmem>>
    %dma_start3A_64 = arith.constant 0 : i32
    %dma_start3A_65 = arith.constant 0 : i32
    %dma_start3A_66 = tpu.memref_slice %arg4[%add3A, %dma_start3A_58, %dma_start3A_64, %dma_start3A_65] : memref<32x79x17x128xf32, #tpu.memory_space<hbm>> -> memref<1x1x17x128xf32, #tpu.memory_space<hbm>>
    %dma_start3A_67 = tpu.memref_squeeze %dma_start3A_66 : memref<1x1x17x128xf32, #tpu.memory_space<hbm>> -> memref<17x128xf32, #tpu.memory_space<hbm>>
    %dma_start3A_68 = arith.constant 0 : i32
    %dma_start3A_69 = arith.constant 0 : i32
    %dma_start3A_70 = tpu.memref_slice %arg10[%dma_start3A_59, %dma_start3A_68, %dma_start3A_69] : memref<3x17x128xf32, #tpu.memory_space<vmem>> -> memref<1x17x128xf32, #tpu.memory_space<vmem>>
    %dma_start3A_71 = tpu.memref_squeeze %dma_start3A_70 : memref<1x17x128xf32, #tpu.memory_space<vmem>> -> memref<17x128xf32, #tpu.memory_space<vmem>>
    %dma_start3A_72 = arith.constant 0 : i32
    %dma_start3A_73 = arith.constant 0 : i32
    %dma_start3A_74 = tpu.memref_slice %arg4[%add3A, %dma_start3A_58, %dma_start3A_72, %dma_start3A_73] : memref<32x79x17x128xf32, #tpu.memory_space<hbm>> -> memref<1x1x17x128xf32, #tpu.memory_space<hbm>>
    %dma_start3A_75 = tpu.memref_squeeze %dma_start3A_74 : memref<1x1x17x128xf32, #tpu.memory_space<hbm>> -> memref<17x128xf32, #tpu.memory_space<hbm>>
    tpu.enqueue_dma source(%dma_start3A_75 : memref<17x128xf32, #tpu.memory_space<hbm>>) target(%dma_start3A_71 : memref<17x128xf32, #tpu.memory_space<vmem>>) target_semaphore(%arg14 : memref<!tpu.dma_semaphore, #tpu.memory_space<semaphore_mem>>)
    %dma_wait3A = arith.constant 0 : i32
    %dma_wait3A_76 = arith.constant 0 : i32
    %dma_wait3A_77 = arith.constant 0 : i32
    %dma_wait3A_78 = arith.constant 0 : i32
    %dma_wait3A_79 = tpu.memref_slice %arg9[%dma_wait3A_76, %dma_wait3A_77, %dma_wait3A_78] : memref<3x2x128xi32, #tpu.memory_space<vmem>> -> memref<1x2x128xi32, #tpu.memory_space<vmem>>
    %dma_wait3A_80 = tpu.memref_squeeze %dma_wait3A_79 : memref<1x2x128xi32, #tpu.memory_space<vmem>> -> memref<2x128xi32, #tpu.memory_space<vmem>>
    %dma_wait3A_81 = arith.constant 0 : i32
    %dma_wait3A_82 = arith.constant 0 : i32
    %dma_wait3A_83 = tpu.memref_slice %arg3[%add3A, %dma_wait3A, %dma_wait3A_81, %dma_wait3A_82] : memref<32x79x2x128xi32, #tpu.memory_space<hbm>> -> memref<1x1x2x128xi32, #tpu.memory_space<hbm>>
    %dma_wait3A_84 = tpu.memref_squeeze %dma_wait3A_83 : memref<1x1x2x128xi32, #tpu.memory_space<hbm>> -> memref<2x128xi32, #tpu.memory_space<hbm>>
    %dma_wait3A_85 = arith.constant 0 : i32
    %dma_wait3A_86 = arith.constant 0 : i32
    %dma_wait3A_87 = tpu.memref_slice %arg9[%dma_wait3A_76, %dma_wait3A_85, %dma_wait3A_86] : memref<3x2x128xi32, #tpu.memory_space<vmem>> -> memref<1x2x128xi32, #tpu.memory_space<vmem>>
    %dma_wait3A_88 = tpu.memref_squeeze %dma_wait3A_87 : memref<1x2x128xi32, #tpu.memory_space<vmem>> -> memref<2x128xi32, #tpu.memory_space<vmem>>
    %dma_wait3A_89 = arith.constant 0 : i32
    %dma_wait3A_90 = arith.constant 0 : i32
    %dma_wait3A_91 = tpu.memref_slice %arg3[%add3A, %dma_wait3A, %dma_wait3A_89, %dma_wait3A_90] : memref<32x79x2x128xi32, #tpu.memory_space<hbm>> -> memref<1x1x2x128xi32, #tpu.memory_space<hbm>>
    %dma_wait3A_92 = tpu.memref_squeeze %dma_wait3A_91 : memref<1x1x2x128xi32, #tpu.memory_space<hbm>> -> memref<2x128xi32, #tpu.memory_space<hbm>>
    tpu.wait_dma2 semaphore(%arg14 : memref<!tpu.dma_semaphore, #tpu.memory_space<semaphore_mem>>) src(%dma_wait3A_92 : memref<2x128xi32, #tpu.memory_space<hbm>>) dst(%dma_wait3A_88 : memref<2x128xi32, #tpu.memory_space<vmem>>)
    %dma_wait3A_93 = arith.constant 0 : i32
    %dma_wait3A_94 = arith.constant 0 : i32
    %dma_wait3A_95 = arith.constant 0 : i32
    %dma_wait3A_96 = arith.constant 0 : i32
    %dma_wait3A_97 = tpu.memref_slice %arg10[%dma_wait3A_94, %dma_wait3A_95, %dma_wait3A_96] : memref<3x17x128xf32, #tpu.memory_space<vmem>> -> memref<1x17x128xf32, #tpu.memory_space<vmem>>
    %dma_wait3A_98 = tpu.memref_squeeze %dma_wait3A_97 : memref<1x17x128xf32, #tpu.memory_space<vmem>> -> memref<17x128xf32, #tpu.memory_space<vmem>>
    %dma_wait3A_99 = arith.constant 0 : i32
    %dma_wait3A_100 = arith.constant 0 : i32
    %dma_wait3A_101 = tpu.memref_slice %arg4[%add3A, %dma_wait3A_93, %dma_wait3A_99, %dma_wait3A_100] : memref<32x79x17x128xf32, #tpu.memory_space<hbm>> -> memref<1x1x17x128xf32, #tpu.memory_space<hbm>>
    %dma_wait3A_102 = tpu.memref_squeeze %dma_wait3A_101 : memref<1x1x17x128xf32, #tpu.memory_space<hbm>> -> memref<17x128xf32, #tpu.memory_space<hbm>>
    %dma_wait3A_103 = arith.constant 0 : i32
    %dma_wait3A_104 = arith.constant 0 : i32
    %dma_wait3A_105 = tpu.memref_slice %arg10[%dma_wait3A_94, %dma_wait3A_103, %dma_wait3A_104] : memref<3x17x128xf32, #tpu.memory_space<vmem>> -> memref<1x17x128xf32, #tpu.memory_space<vmem>>
    %dma_wait3A_106 = tpu.memref_squeeze %dma_wait3A_105 : memref<1x17x128xf32, #tpu.memory_space<vmem>> -> memref<17x128xf32, #tpu.memory_space<vmem>>
    %dma_wait3A_107 = arith.constant 0 : i32
    %dma_wait3A_108 = arith.constant 0 : i32
    %dma_wait3A_109 = tpu.memref_slice %arg4[%add3A, %dma_wait3A_93, %dma_wait3A_107, %dma_wait3A_108] : memref<32x79x17x128xf32, #tpu.memory_space<hbm>> -> memref<1x1x17x128xf32, #tpu.memory_space<hbm>>
    %dma_wait3A_110 = tpu.memref_squeeze %dma_wait3A_109 : memref<1x1x17x128xf32, #tpu.memory_space<hbm>> -> memref<17x128xf32, #tpu.memory_space<hbm>>
    tpu.wait_dma2 semaphore(%arg14 : memref<!tpu.dma_semaphore, #tpu.memory_space<semaphore_mem>>) src(%dma_wait3A_110 : memref<17x128xf32, #tpu.memory_space<hbm>>) dst(%dma_wait3A_106 : memref<17x128xf32, #tpu.memory_space<vmem>>)
    %dma_start3A_111 = arith.constant 0 : i32
    %dma_start3A_112 = arith.constant 0 : i32
    %dma_start3A_113 = arith.constant 0 : i32
    %dma_start3A_114 = arith.constant 0 : i32
    %dma_start3A_115 = arith.constant 0 : i32
    %dma_start3A_116 = tpu.memref_slice %arg11[%dma_start3A_113, %dma_start3A_114, %dma_start3A_115] : memref<2x128x128xf32, #tpu.memory_space<vmem>> -> memref<1x128x128xf32, #tpu.memory_space<vmem>>
    %dma_start3A_117 = tpu.memref_squeeze %dma_start3A_116 : memref<1x128x128xf32, #tpu.memory_space<vmem>> -> memref<128x128xf32, #tpu.memory_space<vmem>>
    %dma_start3A_118 = arith.constant 0 : i32
    %dma_start3A_119 = tpu.memref_slice %arg9[%dma_start3A_111, %dma_start3A_112, %dma_start3A_118] : memref<3x2x128xi32, #tpu.memory_space<vmem>> -> memref<1x1x128xi32, #tpu.memory_space<vmem>>
    %dma_start3A_120 = tpu.memref_squeeze %dma_start3A_119 : memref<1x1x128xi32, #tpu.memory_space<vmem>> -> memref<128xi32, #tpu.memory_space<vmem>>
    %dma_start3A_121 = arith.constant 0 : i32
    %dma_start3A_122 = arith.constant 0 : i32
    %dma_start3A_123 = tpu.memref_slice %arg2[%dma_start3A_121, %dma_start3A_122] : memref<10000x128xf32, #tpu.memory_space<hbm>> -> memref<10000x128xf32, #tpu.memory_space<hbm>>
    tpu.enqueue_indirect_dma source(%dma_start3A_123 : memref<10000x128xf32, #tpu.memory_space<hbm>>) target(%dma_start3A_117 : memref<128x128xf32, #tpu.memory_space<vmem>>) offsets(%dma_start3A_120 : memref<128xi32, #tpu.memory_space<vmem>>) semaphore(%arg15 : memref<!tpu.dma_semaphore, #tpu.memory_space<semaphore_mem>>)
    %scan3A = arith.constant 0 : i32
    %scan3A_124 = arith.constant 0 : i32
    %scan3A_125 = arith.constant 79 : i32
    %scan3A_126 = arith.addi %scan3A_124, %scan3A_125 : i32
    %scan3A_127 = arith.constant 1 : i32
    %scan3A_128 = scf.for %scan3A_163 = %scan3A_124 to %scan3A_126 step %scan3A_127 iter_args(%scan3A_164 = %scan3A) -> (i32)  : i32 {
      %jit3A = arith.constant 2 : i32
      %eq3A = arith.constant 0 : i32
      %eq3A_165 = arith.cmpi eq, %jit3A, %eq3A : i32
      %jit3A_166 = arith.constant 1 : i32
      %select_n3A = arith.select %eq3A_165, %jit3A_166, %jit3A : i32
      %rem3A = arith.remsi %scan3A_163, %select_n3A : i32
      %ne3A = arith.constant 0 : i32
      %ne3A_167 = arith.cmpi ne, %rem3A, %ne3A : i32
      %lt3A = arith.constant 0 : i32
      %lt3A_168 = arith.cmpi slt, %rem3A, %lt3A : i32
      %lt3A_169 = arith.constant 0 : i32
      %lt3A_170 = arith.cmpi slt, %select_n3A, %lt3A_169 : i32
      %ne3A_171 = arith.xori %lt3A_168, %lt3A_170 : i1
      %and3A = arith.andi %ne3A_171, %ne3A_167 : i1
      %add3A_172 = arith.addi %rem3A, %select_n3A : i32
      %select_n3A_173 = arith.select %and3A, %add3A_172, %rem3A : i32
      %ge3A = arith.constant 1 : i32
      %ge3A_174 = arith.cmpi sge, %scan3A_163, %ge3A : i32
      %convert_element_type3A = arith.extui %ge3A_174 : i1 to i32
      %cond3A = arith.constant 0 : i32
      %cond3A_175 = arith.cmpi ne, %convert_element_type3A, %cond3A : i32
      scf.if %cond3A_175 {
        %sub3A = arith.constant 1 : i32
        %sub3A_326 = arith.subi %scan3A_163, %sub3A : i32
        %jit3A_327 = arith.constant 3 : i32
        %eq3A_328 = arith.constant 0 : i32
        %eq3A_329 = arith.cmpi eq, %jit3A_327, %eq3A_328 : i32
        %jit3A_330 = arith.constant 1 : i32
        %select_n3A_331 = arith.select %eq3A_329, %jit3A_330, %jit3A_327 : i32
        %rem3A_332 = arith.remsi %sub3A_326, %select_n3A_331 : i32
        %ne3A_333 = arith.constant 0 : i32
        %ne3A_334 = arith.cmpi ne, %rem3A_332, %ne3A_333 : i32
        %lt3A_335 = arith.constant 0 : i32
        %lt3A_336 = arith.cmpi slt, %rem3A_332, %lt3A_335 : i32
        %lt3A_337 = arith.constant 0 : i32
        %lt3A_338 = arith.cmpi slt, %select_n3A_331, %lt3A_337 : i32
        %ne3A_339 = arith.xori %lt3A_336, %lt3A_338 : i1
        %and3A_340 = arith.andi %ne3A_339, %ne3A_334 : i1
        %add3A_341 = arith.addi %rem3A_332, %select_n3A_331 : i32
        %select_n3A_342 = arith.select %and3A_340, %add3A_341, %rem3A_332 : i32
        %jit3A_343 = arith.constant 3 : i32
        %eq3A_344 = arith.constant 0 : i32
        %eq3A_345 = arith.cmpi eq, %jit3A_343, %eq3A_344 : i32
        %jit3A_346 = arith.constant 1 : i32
        %select_n3A_347 = arith.select %eq3A_345, %jit3A_346, %jit3A_343 : i32
        %rem3A_348 = arith.remsi %sub3A_326, %select_n3A_347 : i32
        %ne3A_349 = arith.constant 0 : i32
        %ne3A_350 = arith.cmpi ne, %rem3A_348, %ne3A_349 : i32
        %lt3A_351 = arith.constant 0 : i32
        %lt3A_352 = arith.cmpi slt, %rem3A_348, %lt3A_351 : i32
        %lt3A_353 = arith.constant 0 : i32
        %lt3A_354 = arith.cmpi slt, %select_n3A_347, %lt3A_353 : i32
        %ne3A_355 = arith.xori %lt3A_352, %lt3A_354 : i1
        %and3A_356 = arith.andi %ne3A_355, %ne3A_350 : i1
        %add3A_357 = arith.addi %rem3A_348, %select_n3A_347 : i32
        %select_n3A_358 = arith.select %and3A_356, %add3A_357, %rem3A_348 : i32
        %dma_wait3A_359 = arith.constant 0 : i32
        %dma_wait3A_360 = arith.constant 1 : i32
        %dma_wait3A_361 = arith.constant 0 : i32
        %dma_wait3A_362 = tpu.memref_slice %arg10[%select_n3A_342, %dma_wait3A_359, %dma_wait3A_361] : memref<3x17x128xf32, #tpu.memory_space<vmem>> -> memref<1x1x128xf32, #tpu.memory_space<vmem>>
        %dma_wait3A_363 = tpu.memref_squeeze %dma_wait3A_362 : memref<1x1x128xf32, #tpu.memory_space<vmem>> -> memref<128xf32, #tpu.memory_space<vmem>>
        %dma_wait3A_364 = arith.constant 0 : i32
        %dma_wait3A_365 = tpu.memref_slice %arg9[%select_n3A_358, %dma_wait3A_360, %dma_wait3A_364] : memref<3x2x128xi32, #tpu.memory_space<vmem>> -> memref<1x1x128xi32, #tpu.memory_space<vmem>>
        %dma_wait3A_366 = tpu.memref_squeeze %dma_wait3A_365 : memref<1x1x128xi32, #tpu.memory_space<vmem>> -> memref<128xi32, #tpu.memory_space<vmem>>
        %dma_wait3A_367 = arith.constant 0 : i32
        %dma_wait3A_368 = tpu.memref_slice %arg13[%dma_wait3A_367] : memref<10240xf32, #tpu.memory_space<vmem_shared>> -> memref<10240xf32, #tpu.memory_space<vmem_shared>>
        tpu.wait_indirect_dma semaphore(%arg17 : memref<!tpu.dma_semaphore, #tpu.memory_space<semaphore_mem>>) src(%dma_wait3A_363 : memref<128xf32, #tpu.memory_space<vmem>>) dst(%dma_wait3A_368 : memref<10240xf32, #tpu.memory_space<vmem_shared>>)
        %jit3A_369 = arith.constant 2 : i32
        %eq3A_370 = arith.constant 0 : i32
        %eq3A_371 = arith.cmpi eq, %jit3A_369, %eq3A_370 : i32
        %jit3A_372 = arith.constant 1 : i32
        %select_n3A_373 = arith.select %eq3A_371, %jit3A_372, %jit3A_369 : i32
        %rem3A_374 = arith.remsi %sub3A_326, %select_n3A_373 : i32
        %ne3A_375 = arith.constant 0 : i32
        %ne3A_376 = arith.cmpi ne, %rem3A_374, %ne3A_375 : i32
        %lt3A_377 = arith.constant 0 : i32
        %lt3A_378 = arith.cmpi slt, %rem3A_374, %lt3A_377 : i32
        %lt3A_379 = arith.constant 0 : i32
        %lt3A_380 = arith.cmpi slt, %select_n3A_373, %lt3A_379 : i32
        %ne3A_381 = arith.xori %lt3A_378, %lt3A_380 : i1
        %and3A_382 = arith.andi %ne3A_381, %ne3A_376 : i1
        %add3A_383 = arith.addi %rem3A_374, %select_n3A_373 : i32
        %select_n3A_384 = arith.select %and3A_382, %add3A_383, %rem3A_374 : i32
        %jit3A_385 = arith.constant 3 : i32
        %eq3A_386 = arith.constant 0 : i32
        %eq3A_387 = arith.cmpi eq, %jit3A_385, %eq3A_386 : i32
        %jit3A_388 = arith.constant 1 : i32
        %select_n3A_389 = arith.select %eq3A_387, %jit3A_388, %jit3A_385 : i32
        %rem3A_390 = arith.remsi %sub3A_326, %select_n3A_389 : i32
        %ne3A_391 = arith.constant 0 : i32
        %ne3A_392 = arith.cmpi ne, %rem3A_390, %ne3A_391 : i32
        %lt3A_393 = arith.constant 0 : i32
        %lt3A_394 = arith.cmpi slt, %rem3A_390, %lt3A_393 : i32
        %lt3A_395 = arith.constant 0 : i32
        %lt3A_396 = arith.cmpi slt, %select_n3A_389, %lt3A_395 : i32
        %ne3A_397 = arith.xori %lt3A_394, %lt3A_396 : i1
        %and3A_398 = arith.andi %ne3A_397, %ne3A_392 : i1
        %add3A_399 = arith.addi %rem3A_390, %select_n3A_389 : i32
        %select_n3A_400 = arith.select %and3A_398, %add3A_399, %rem3A_390 : i32
        %dma_wait3A_401 = arith.constant 1 : i32
        %dma_wait3A_402 = arith.constant 0 : i32
        %dma_wait3A_403 = arith.constant 0 : i32
        %dma_wait3A_404 = tpu.memref_slice %arg11[%select_n3A_384, %dma_wait3A_402, %dma_wait3A_403] : memref<2x128x128xf32, #tpu.memory_space<vmem>> -> memref<1x128x128xf32, #tpu.memory_space<vmem>>
        %dma_wait3A_405 = tpu.memref_squeeze %dma_wait3A_404 : memref<1x128x128xf32, #tpu.memory_space<vmem>> -> memref<128x128xf32, #tpu.memory_space<vmem>>
        %dma_wait3A_406 = arith.constant 0 : i32
        %dma_wait3A_407 = tpu.memref_slice %arg9[%select_n3A_400, %dma_wait3A_401, %dma_wait3A_406] : memref<3x2x128xi32, #tpu.memory_space<vmem>> -> memref<1x1x128xi32, #tpu.memory_space<vmem>>
        %dma_wait3A_408 = tpu.memref_squeeze %dma_wait3A_407 : memref<1x1x128xi32, #tpu.memory_space<vmem>> -> memref<128xi32, #tpu.memory_space<vmem>>
        %dma_wait3A_409 = arith.constant 0 : i32
        %dma_wait3A_410 = arith.constant 0 : i32
        %dma_wait3A_411 = tpu.memref_slice %arg12[%dma_wait3A_409, %dma_wait3A_410] : memref<10240x128xf32, #tpu.memory_space<vmem_shared>> -> memref<10240x128xf32, #tpu.memory_space<vmem_shared>>
        tpu.wait_indirect_dma semaphore(%arg16 : memref<!tpu.dma_semaphore, #tpu.memory_space<semaphore_mem>>) src(%dma_wait3A_405 : memref<128x128xf32, #tpu.memory_space<vmem>>) dst(%dma_wait3A_411 : memref<10240x128xf32, #tpu.memory_space<vmem_shared>>)
      } else {
      }
      %add3A_176 = arith.constant 1 : i32
      %add3A_177 = arith.addi %scan3A_163, %add3A_176 : i32
      %lt3A_178 = arith.constant 79 : i32
      %lt3A_179 = arith.cmpi slt, %add3A_177, %lt3A_178 : i32
      %convert_element_type3A_180 = arith.extui %lt3A_179 : i1 to i32
      %cond3A_181 = arith.constant 0 : i32
      %cond3A_182 = arith.cmpi ne, %convert_element_type3A_180, %cond3A_181 : i32
      scf.if %cond3A_182 {
        %add3A_326 = arith.constant 1 : i32
        %add3A_327 = arith.addi %scan3A_163, %add3A_326 : i32
        %jit3A_328 = arith.constant 3 : i32
        %eq3A_329 = arith.constant 0 : i32
        %eq3A_330 = arith.cmpi eq, %jit3A_328, %eq3A_329 : i32
        %jit3A_331 = arith.constant 1 : i32
        %select_n3A_332 = arith.select %eq3A_330, %jit3A_331, %jit3A_328 : i32
        %rem3A_333 = arith.remsi %add3A_327, %select_n3A_332 : i32
        %ne3A_334 = arith.constant 0 : i32
        %ne3A_335 = arith.cmpi ne, %rem3A_333, %ne3A_334 : i32
        %lt3A_336 = arith.constant 0 : i32
        %lt3A_337 = arith.cmpi slt, %rem3A_333, %lt3A_336 : i32
        %lt3A_338 = arith.constant 0 : i32
        %lt3A_339 = arith.cmpi slt, %select_n3A_332, %lt3A_338 : i32
        %ne3A_340 = arith.xori %lt3A_337, %lt3A_339 : i1
        %and3A_341 = arith.andi %ne3A_340, %ne3A_335 : i1
        %add3A_342 = arith.addi %rem3A_333, %select_n3A_332 : i32
        %select_n3A_343 = arith.select %and3A_341, %add3A_342, %rem3A_333 : i32
        %dma_wait3A_344 = arith.constant 0 : i32
        %dma_wait3A_345 = arith.constant 0 : i32
        %dma_wait3A_346 = tpu.memref_slice %arg9[%select_n3A_343, %dma_wait3A_344, %dma_wait3A_345] : memref<3x2x128xi32, #tpu.memory_space<vmem>> -> memref<1x2x128xi32, #tpu.memory_space<vmem>>
        %dma_wait3A_347 = tpu.memref_squeeze %dma_wait3A_346 : memref<1x2x128xi32, #tpu.memory_space<vmem>> -> memref<2x128xi32, #tpu.memory_space<vmem>>
        %dma_wait3A_348 = arith.constant 0 : i32
        %dma_wait3A_349 = arith.constant 0 : i32
        %dma_wait3A_350 = tpu.memref_slice %arg3[%add3A, %add3A_327, %dma_wait3A_348, %dma_wait3A_349] : memref<32x79x2x128xi32, #tpu.memory_space<hbm>> -> memref<1x1x2x128xi32, #tpu.memory_space<hbm>>
        %dma_wait3A_351 = tpu.memref_squeeze %dma_wait3A_350 : memref<1x1x2x128xi32, #tpu.memory_space<hbm>> -> memref<2x128xi32, #tpu.memory_space<hbm>>
        %dma_wait3A_352 = arith.constant 0 : i32
        %dma_wait3A_353 = arith.constant 0 : i32
        %dma_wait3A_354 = tpu.memref_slice %arg9[%select_n3A_343, %dma_wait3A_352, %dma_wait3A_353] : memref<3x2x128xi32, #tpu.memory_space<vmem>> -> memref<1x2x128xi32, #tpu.memory_space<vmem>>
        %dma_wait3A_355 = tpu.memref_squeeze %dma_wait3A_354 : memref<1x2x128xi32, #tpu.memory_space<vmem>> -> memref<2x128xi32, #tpu.memory_space<vmem>>
        %dma_wait3A_356 = arith.constant 0 : i32
        %dma_wait3A_357 = arith.constant 0 : i32
        %dma_wait3A_358 = tpu.memref_slice %arg3[%add3A, %add3A_327, %dma_wait3A_356, %dma_wait3A_357] : memref<32x79x2x128xi32, #tpu.memory_space<hbm>> -> memref<1x1x2x128xi32, #tpu.memory_space<hbm>>
        %dma_wait3A_359 = tpu.memref_squeeze %dma_wait3A_358 : memref<1x1x2x128xi32, #tpu.memory_space<hbm>> -> memref<2x128xi32, #tpu.memory_space<hbm>>
        tpu.wait_dma2 semaphore(%arg14 : memref<!tpu.dma_semaphore, #tpu.memory_space<semaphore_mem>>) src(%dma_wait3A_359 : memref<2x128xi32, #tpu.memory_space<hbm>>) dst(%dma_wait3A_355 : memref<2x128xi32, #tpu.memory_space<vmem>>)
        %jit3A_360 = arith.constant 3 : i32
        %eq3A_361 = arith.constant 0 : i32
        %eq3A_362 = arith.cmpi eq, %jit3A_360, %eq3A_361 : i32
        %jit3A_363 = arith.constant 1 : i32
        %select_n3A_364 = arith.select %eq3A_362, %jit3A_363, %jit3A_360 : i32
        %rem3A_365 = arith.remsi %add3A_327, %select_n3A_364 : i32
        %ne3A_366 = arith.constant 0 : i32
        %ne3A_367 = arith.cmpi ne, %rem3A_365, %ne3A_366 : i32
        %lt3A_368 = arith.constant 0 : i32
        %lt3A_369 = arith.cmpi slt, %rem3A_365, %lt3A_368 : i32
        %lt3A_370 = arith.constant 0 : i32
        %lt3A_371 = arith.cmpi slt, %select_n3A_364, %lt3A_370 : i32
        %ne3A_372 = arith.xori %lt3A_369, %lt3A_371 : i1
        %and3A_373 = arith.andi %ne3A_372, %ne3A_367 : i1
        %add3A_374 = arith.addi %rem3A_365, %select_n3A_364 : i32
        %select_n3A_375 = arith.select %and3A_373, %add3A_374, %rem3A_365 : i32
        %dma_wait3A_376 = arith.constant 0 : i32
        %dma_wait3A_377 = arith.constant 0 : i32
        %dma_wait3A_378 = tpu.memref_slice %arg10[%select_n3A_375, %dma_wait3A_376, %dma_wait3A_377] : memref<3x17x128xf32, #tpu.memory_space<vmem>> -> memref<1x17x128xf32, #tpu.memory_space<vmem>>
        %dma_wait3A_379 = tpu.memref_squeeze %dma_wait3A_378 : memref<1x17x128xf32, #tpu.memory_space<vmem>> -> memref<17x128xf32, #tpu.memory_space<vmem>>
        %dma_wait3A_380 = arith.constant 0 : i32
        %dma_wait3A_381 = arith.constant 0 : i32
        %dma_wait3A_382 = tpu.memref_slice %arg4[%add3A, %add3A_327, %dma_wait3A_380, %dma_wait3A_381] : memref<32x79x17x128xf32, #tpu.memory_space<hbm>> -> memref<1x1x17x128xf32, #tpu.memory_space<hbm>>
        %dma_wait3A_383 = tpu.memref_squeeze %dma_wait3A_382 : memref<1x1x17x128xf32, #tpu.memory_space<hbm>> -> memref<17x128xf32, #tpu.memory_space<hbm>>
        %dma_wait3A_384 = arith.constant 0 : i32
        %dma_wait3A_385 = arith.constant 0 : i32
        %dma_wait3A_386 = tpu.memref_slice %arg10[%select_n3A_375, %dma_wait3A_384, %dma_wait3A_385] : memref<3x17x128xf32, #tpu.memory_space<vmem>> -> memref<1x17x128xf32, #tpu.memory_space<vmem>>
        %dma_wait3A_387 = tpu.memref_squeeze %dma_wait3A_386 : memref<1x17x128xf32, #tpu.memory_space<vmem>> -> memref<17x128xf32, #tpu.memory_space<vmem>>
        %dma_wait3A_388 = arith.constant 0 : i32
        %dma_wait3A_389 = arith.constant 0 : i32
        %dma_wait3A_390 = tpu.memref_slice %arg4[%add3A, %add3A_327, %dma_wait3A_388, %dma_wait3A_389] : memref<32x79x17x128xf32, #tpu.memory_space<hbm>> -> memref<1x1x17x128xf32, #tpu.memory_space<hbm>>
        %dma_wait3A_391 = tpu.memref_squeeze %dma_wait3A_390 : memref<1x1x17x128xf32, #tpu.memory_space<hbm>> -> memref<17x128xf32, #tpu.memory_space<hbm>>
        tpu.wait_dma2 semaphore(%arg14 : memref<!tpu.dma_semaphore, #tpu.memory_space<semaphore_mem>>) src(%dma_wait3A_391 : memref<17x128xf32, #tpu.memory_space<hbm>>) dst(%dma_wait3A_387 : memref<17x128xf32, #tpu.memory_space<vmem>>)
        %add3A_392 = arith.constant 1 : i32
        %add3A_393 = arith.addi %scan3A_163, %add3A_392 : i32
        %jit3A_394 = arith.constant 3 : i32
        %eq3A_395 = arith.constant 0 : i32
        %eq3A_396 = arith.cmpi eq, %jit3A_394, %eq3A_395 : i32
        %jit3A_397 = arith.constant 1 : i32
        %select_n3A_398 = arith.select %eq3A_396, %jit3A_397, %jit3A_394 : i32
        %rem3A_399 = arith.remsi %add3A_393, %select_n3A_398 : i32
        %ne3A_400 = arith.constant 0 : i32
        %ne3A_401 = arith.cmpi ne, %rem3A_399, %ne3A_400 : i32
        %lt3A_402 = arith.constant 0 : i32
        %lt3A_403 = arith.cmpi slt, %rem3A_399, %lt3A_402 : i32
        %lt3A_404 = arith.constant 0 : i32
        %lt3A_405 = arith.cmpi slt, %select_n3A_398, %lt3A_404 : i32
        %ne3A_406 = arith.xori %lt3A_403, %lt3A_405 : i1
        %and3A_407 = arith.andi %ne3A_406, %ne3A_401 : i1
        %add3A_408 = arith.addi %rem3A_399, %select_n3A_398 : i32
        %select_n3A_409 = arith.select %and3A_407, %add3A_408, %rem3A_399 : i32
        %jit3A_410 = arith.constant 2 : i32
        %eq3A_411 = arith.constant 0 : i32
        %eq3A_412 = arith.cmpi eq, %jit3A_410, %eq3A_411 : i32
        %jit3A_413 = arith.constant 1 : i32
        %select_n3A_414 = arith.select %eq3A_412, %jit3A_413, %jit3A_410 : i32
        %rem3A_415 = arith.remsi %add3A_393, %select_n3A_414 : i32
        %ne3A_416 = arith.constant 0 : i32
        %ne3A_417 = arith.cmpi ne, %rem3A_415, %ne3A_416 : i32
        %lt3A_418 = arith.constant 0 : i32
        %lt3A_419 = arith.cmpi slt, %rem3A_415, %lt3A_418 : i32
        %lt3A_420 = arith.constant 0 : i32
        %lt3A_421 = arith.cmpi slt, %select_n3A_414, %lt3A_420 : i32
        %ne3A_422 = arith.xori %lt3A_419, %lt3A_421 : i1
        %and3A_423 = arith.andi %ne3A_422, %ne3A_417 : i1
        %add3A_424 = arith.addi %rem3A_415, %select_n3A_414 : i32
        %select_n3A_425 = arith.select %and3A_423, %add3A_424, %rem3A_415 : i32
        %dma_start3A_426 = arith.constant 0 : i32
        %dma_start3A_427 = arith.constant 0 : i32
        %dma_start3A_428 = arith.constant 0 : i32
        %dma_start3A_429 = tpu.memref_slice %arg11[%select_n3A_425, %dma_start3A_427, %dma_start3A_428] : memref<2x128x128xf32, #tpu.memory_space<vmem>> -> memref<1x128x128xf32, #tpu.memory_space<vmem>>
        %dma_start3A_430 = tpu.memref_squeeze %dma_start3A_429 : memref<1x128x128xf32, #tpu.memory_space<vmem>> -> memref<128x128xf32, #tpu.memory_space<vmem>>
        %dma_start3A_431 = arith.constant 0 : i32
        %dma_start3A_432 = tpu.memref_slice %arg9[%select_n3A_409, %dma_start3A_426, %dma_start3A_431] : memref<3x2x128xi32, #tpu.memory_space<vmem>> -> memref<1x1x128xi32, #tpu.memory_space<vmem>>
        %dma_start3A_433 = tpu.memref_squeeze %dma_start3A_432 : memref<1x1x128xi32, #tpu.memory_space<vmem>> -> memref<128xi32, #tpu.memory_space<vmem>>
        %dma_start3A_434 = arith.constant 0 : i32
        %dma_start3A_435 = arith.constant 0 : i32
        %dma_start3A_436 = tpu.memref_slice %arg2[%dma_start3A_434, %dma_start3A_435] : memref<10000x128xf32, #tpu.memory_space<hbm>> -> memref<10000x128xf32, #tpu.memory_space<hbm>>
        tpu.enqueue_indirect_dma source(%dma_start3A_436 : memref<10000x128xf32, #tpu.memory_space<hbm>>) target(%dma_start3A_430 : memref<128x128xf32, #tpu.memory_space<vmem>>) offsets(%dma_start3A_433 : memref<128xi32, #tpu.memory_space<vmem>>) semaphore(%arg15 : memref<!tpu.dma_semaphore, #tpu.memory_space<semaphore_mem>>)
      } else {
      }
      %add3A_183 = arith.constant 2 : i32
      %add3A_184 = arith.addi %scan3A_163, %add3A_183 : i32
      %lt3A_185 = arith.constant 79 : i32
      %lt3A_186 = arith.cmpi slt, %add3A_184, %lt3A_185 : i32
      %convert_element_type3A_187 = arith.extui %lt3A_186 : i1 to i32
      %cond3A_188 = arith.constant 0 : i32
      %cond3A_189 = arith.cmpi ne, %convert_element_type3A_187, %cond3A_188 : i32
      scf.if %cond3A_189 {
        %add3A_326 = arith.constant 2 : i32
        %add3A_327 = arith.addi %scan3A_163, %add3A_326 : i32
        %jit3A_328 = arith.constant 3 : i32
        %eq3A_329 = arith.constant 0 : i32
        %eq3A_330 = arith.cmpi eq, %jit3A_328, %eq3A_329 : i32
        %jit3A_331 = arith.constant 1 : i32
        %select_n3A_332 = arith.select %eq3A_330, %jit3A_331, %jit3A_328 : i32
        %rem3A_333 = arith.remsi %add3A_327, %select_n3A_332 : i32
        %ne3A_334 = arith.constant 0 : i32
        %ne3A_335 = arith.cmpi ne, %rem3A_333, %ne3A_334 : i32
        %lt3A_336 = arith.constant 0 : i32
        %lt3A_337 = arith.cmpi slt, %rem3A_333, %lt3A_336 : i32
        %lt3A_338 = arith.constant 0 : i32
        %lt3A_339 = arith.cmpi slt, %select_n3A_332, %lt3A_338 : i32
        %ne3A_340 = arith.xori %lt3A_337, %lt3A_339 : i1
        %and3A_341 = arith.andi %ne3A_340, %ne3A_335 : i1
        %add3A_342 = arith.addi %rem3A_333, %select_n3A_332 : i32
        %select_n3A_343 = arith.select %and3A_341, %add3A_342, %rem3A_333 : i32
        %dma_start3A_344 = arith.constant 0 : i32
        %dma_start3A_345 = arith.constant 0 : i32
        %dma_start3A_346 = tpu.memref_slice %arg9[%select_n3A_343, %dma_start3A_344, %dma_start3A_345] : memref<3x2x128xi32, #tpu.memory_space<vmem>> -> memref<1x2x128xi32, #tpu.memory_space<vmem>>
        %dma_start3A_347 = tpu.memref_squeeze %dma_start3A_346 : memref<1x2x128xi32, #tpu.memory_space<vmem>> -> memref<2x128xi32, #tpu.memory_space<vmem>>
        %dma_start3A_348 = arith.constant 0 : i32
        %dma_start3A_349 = arith.constant 0 : i32
        %dma_start3A_350 = tpu.memref_slice %arg3[%add3A, %add3A_327, %dma_start3A_348, %dma_start3A_349] : memref<32x79x2x128xi32, #tpu.memory_space<hbm>> -> memref<1x1x2x128xi32, #tpu.memory_space<hbm>>
        %dma_start3A_351 = tpu.memref_squeeze %dma_start3A_350 : memref<1x1x2x128xi32, #tpu.memory_space<hbm>> -> memref<2x128xi32, #tpu.memory_space<hbm>>
        %dma_start3A_352 = arith.constant 0 : i32
        %dma_start3A_353 = arith.constant 0 : i32
        %dma_start3A_354 = tpu.memref_slice %arg9[%select_n3A_343, %dma_start3A_352, %dma_start3A_353] : memref<3x2x128xi32, #tpu.memory_space<vmem>> -> memref<1x2x128xi32, #tpu.memory_space<vmem>>
        %dma_start3A_355 = tpu.memref_squeeze %dma_start3A_354 : memref<1x2x128xi32, #tpu.memory_space<vmem>> -> memref<2x128xi32, #tpu.memory_space<vmem>>
        %dma_start3A_356 = arith.constant 0 : i32
        %dma_start3A_357 = arith.constant 0 : i32
        %dma_start3A_358 = tpu.memref_slice %arg3[%add3A, %add3A_327, %dma_start3A_356, %dma_start3A_357] : memref<32x79x2x128xi32, #tpu.memory_space<hbm>> -> memref<1x1x2x128xi32, #tpu.memory_space<hbm>>
        %dma_start3A_359 = tpu.memref_squeeze %dma_start3A_358 : memref<1x1x2x128xi32, #tpu.memory_space<hbm>> -> memref<2x128xi32, #tpu.memory_space<hbm>>
        tpu.enqueue_dma source(%dma_start3A_359 : memref<2x128xi32, #tpu.memory_space<hbm>>) target(%dma_start3A_355 : memref<2x128xi32, #tpu.memory_space<vmem>>) target_semaphore(%arg14 : memref<!tpu.dma_semaphore, #tpu.memory_space<semaphore_mem>>)
        %jit3A_360 = arith.constant 3 : i32
        %eq3A_361 = arith.constant 0 : i32
        %eq3A_362 = arith.cmpi eq, %jit3A_360, %eq3A_361 : i32
        %jit3A_363 = arith.constant 1 : i32
        %select_n3A_364 = arith.select %eq3A_362, %jit3A_363, %jit3A_360 : i32
        %rem3A_365 = arith.remsi %add3A_327, %select_n3A_364 : i32
        %ne3A_366 = arith.constant 0 : i32
        %ne3A_367 = arith.cmpi ne, %rem3A_365, %ne3A_366 : i32
        %lt3A_368 = arith.constant 0 : i32
        %lt3A_369 = arith.cmpi slt, %rem3A_365, %lt3A_368 : i32
        %lt3A_370 = arith.constant 0 : i32
        %lt3A_371 = arith.cmpi slt, %select_n3A_364, %lt3A_370 : i32
        %ne3A_372 = arith.xori %lt3A_369, %lt3A_371 : i1
        %and3A_373 = arith.andi %ne3A_372, %ne3A_367 : i1
        %add3A_374 = arith.addi %rem3A_365, %select_n3A_364 : i32
        %select_n3A_375 = arith.select %and3A_373, %add3A_374, %rem3A_365 : i32
        %dma_start3A_376 = arith.constant 0 : i32
        %dma_start3A_377 = arith.constant 0 : i32
        %dma_start3A_378 = tpu.memref_slice %arg10[%select_n3A_375, %dma_start3A_376, %dma_start3A_377] : memref<3x17x128xf32, #tpu.memory_space<vmem>> -> memref<1x17x128xf32, #tpu.memory_space<vmem>>
        %dma_start3A_379 = tpu.memref_squeeze %dma_start3A_378 : memref<1x17x128xf32, #tpu.memory_space<vmem>> -> memref<17x128xf32, #tpu.memory_space<vmem>>
        %dma_start3A_380 = arith.constant 0 : i32
        %dma_start3A_381 = arith.constant 0 : i32
        %dma_start3A_382 = tpu.memref_slice %arg4[%add3A, %add3A_327, %dma_start3A_380, %dma_start3A_381] : memref<32x79x17x128xf32, #tpu.memory_space<hbm>> -> memref<1x1x17x128xf32, #tpu.memory_space<hbm>>
        %dma_start3A_383 = tpu.memref_squeeze %dma_start3A_382 : memref<1x1x17x128xf32, #tpu.memory_space<hbm>> -> memref<17x128xf32, #tpu.memory_space<hbm>>
        %dma_start3A_384 = arith.constant 0 : i32
        %dma_start3A_385 = arith.constant 0 : i32
        %dma_start3A_386 = tpu.memref_slice %arg10[%select_n3A_375, %dma_start3A_384, %dma_start3A_385] : memref<3x17x128xf32, #tpu.memory_space<vmem>> -> memref<1x17x128xf32, #tpu.memory_space<vmem>>
        %dma_start3A_387 = tpu.memref_squeeze %dma_start3A_386 : memref<1x17x128xf32, #tpu.memory_space<vmem>> -> memref<17x128xf32, #tpu.memory_space<vmem>>
        %dma_start3A_388 = arith.constant 0 : i32
        %dma_start3A_389 = arith.constant 0 : i32
        %dma_start3A_390 = tpu.memref_slice %arg4[%add3A, %add3A_327, %dma_start3A_388, %dma_start3A_389] : memref<32x79x17x128xf32, #tpu.memory_space<hbm>> -> memref<1x1x17x128xf32, #tpu.memory_space<hbm>>
        %dma_start3A_391 = tpu.memref_squeeze %dma_start3A_390 : memref<1x1x17x128xf32, #tpu.memory_space<hbm>> -> memref<17x128xf32, #tpu.memory_space<hbm>>
        tpu.enqueue_dma source(%dma_start3A_391 : memref<17x128xf32, #tpu.memory_space<hbm>>) target(%dma_start3A_387 : memref<17x128xf32, #tpu.memory_space<vmem>>) target_semaphore(%arg14 : memref<!tpu.dma_semaphore, #tpu.memory_space<semaphore_mem>>)
      } else {
      }
      %jit3A_190 = arith.constant 3 : i32
      %eq3A_191 = arith.constant 0 : i32
      %eq3A_192 = arith.cmpi eq, %jit3A_190, %eq3A_191 : i32
      %jit3A_193 = arith.constant 1 : i32
      %select_n3A_194 = arith.select %eq3A_192, %jit3A_193, %jit3A_190 : i32
      %rem3A_195 = arith.remsi %scan3A_163, %select_n3A_194 : i32
      %ne3A_196 = arith.constant 0 : i32
      %ne3A_197 = arith.cmpi ne, %rem3A_195, %ne3A_196 : i32
      %lt3A_198 = arith.constant 0 : i32
      %lt3A_199 = arith.cmpi slt, %rem3A_195, %lt3A_198 : i32
      %lt3A_200 = arith.constant 0 : i32
      %lt3A_201 = arith.cmpi slt, %select_n3A_194, %lt3A_200 : i32
      %ne3A_202 = arith.xori %lt3A_199, %lt3A_201 : i1
      %and3A_203 = arith.andi %ne3A_202, %ne3A_197 : i1
      %add3A_204 = arith.addi %rem3A_195, %select_n3A_194 : i32
      %select_n3A_205 = arith.select %and3A_203, %add3A_204, %rem3A_195 : i32
      %jit3A_206 = arith.constant 2 : i32
      %eq3A_207 = arith.constant 0 : i32
      %eq3A_208 = arith.cmpi eq, %jit3A_206, %eq3A_207 : i32
      %jit3A_209 = arith.constant 1 : i32
      %select_n3A_210 = arith.select %eq3A_208, %jit3A_209, %jit3A_206 : i32
      %rem3A_211 = arith.remsi %scan3A_163, %select_n3A_210 : i32
      %ne3A_212 = arith.constant 0 : i32
      %ne3A_213 = arith.cmpi ne, %rem3A_211, %ne3A_212 : i32
      %lt3A_214 = arith.constant 0 : i32
      %lt3A_215 = arith.cmpi slt, %rem3A_211, %lt3A_214 : i32
      %lt3A_216 = arith.constant 0 : i32
      %lt3A_217 = arith.cmpi slt, %select_n3A_210, %lt3A_216 : i32
      %ne3A_218 = arith.xori %lt3A_215, %lt3A_217 : i1
      %and3A_219 = arith.andi %ne3A_218, %ne3A_213 : i1
      %add3A_220 = arith.addi %rem3A_211, %select_n3A_210 : i32
      %select_n3A_221 = arith.select %and3A_219, %add3A_220, %rem3A_211 : i32
      %dma_wait3A_222 = arith.constant 0 : i32
      %dma_wait3A_223 = arith.constant 0 : i32
      %dma_wait3A_224 = arith.constant 0 : i32
      %dma_wait3A_225 = tpu.memref_slice %arg11[%select_n3A_221, %dma_wait3A_223, %dma_wait3A_224] : memref<2x128x128xf32, #tpu.memory_space<vmem>> -> memref<1x128x128xf32, #tpu.memory_space<vmem>>
      %dma_wait3A_226 = tpu.memref_squeeze %dma_wait3A_225 : memref<1x128x128xf32, #tpu.memory_space<vmem>> -> memref<128x128xf32, #tpu.memory_space<vmem>>
      %dma_wait3A_227 = arith.constant 0 : i32
      %dma_wait3A_228 = tpu.memref_slice %arg9[%select_n3A_205, %dma_wait3A_222, %dma_wait3A_227] : memref<3x2x128xi32, #tpu.memory_space<vmem>> -> memref<1x1x128xi32, #tpu.memory_space<vmem>>
      %dma_wait3A_229 = tpu.memref_squeeze %dma_wait3A_228 : memref<1x1x128xi32, #tpu.memory_space<vmem>> -> memref<128xi32, #tpu.memory_space<vmem>>
      %dma_wait3A_230 = arith.constant 0 : i32
      %dma_wait3A_231 = arith.constant 0 : i32
      %dma_wait3A_232 = tpu.memref_slice %arg2[%dma_wait3A_230, %dma_wait3A_231] : memref<10000x128xf32, #tpu.memory_space<hbm>> -> memref<10000x128xf32, #tpu.memory_space<hbm>>
      tpu.wait_indirect_dma semaphore(%arg15 : memref<!tpu.dma_semaphore, #tpu.memory_space<semaphore_mem>>) src(%dma_wait3A_232 : memref<10000x128xf32, #tpu.memory_space<hbm>>) dst(%dma_wait3A_226 : memref<128x128xf32, #tpu.memory_space<vmem>>)
      %scan3A_233 = arith.constant 0 : i32
      %scan3A_234 = arith.constant 0 : i32
      %scan3A_235 = arith.constant 16 : i32
      %scan3A_236 = arith.addi %scan3A_234, %scan3A_235 : i32
      %scan3A_237 = arith.constant 1 : i32
      %scan3A_238 = scf.for %scan3A_326 = %scan3A_234 to %scan3A_236 step %scan3A_237 iter_args(%scan3A_327 = %scan3A_233) -> (i32)  : i32 {
        %jit3A_328 = arith.constant 3 : i32
        %eq3A_329 = arith.constant 0 : i32
        %eq3A_330 = arith.cmpi eq, %jit3A_328, %eq3A_329 : i32
        %jit3A_331 = arith.constant 1 : i32
        %select_n3A_332 = arith.select %eq3A_330, %jit3A_331, %jit3A_328 : i32
        %rem3A_333 = arith.remsi %scan3A_163, %select_n3A_332 : i32
        %ne3A_334 = arith.constant 0 : i32
        %ne3A_335 = arith.cmpi ne, %rem3A_333, %ne3A_334 : i32
        %lt3A_336 = arith.constant 0 : i32
        %lt3A_337 = arith.cmpi slt, %rem3A_333, %lt3A_336 : i32
        %lt3A_338 = arith.constant 0 : i32
        %lt3A_339 = arith.cmpi slt, %select_n3A_332, %lt3A_338 : i32
        %ne3A_340 = arith.xori %lt3A_337, %lt3A_339 : i1
        %and3A_341 = arith.andi %ne3A_340, %ne3A_335 : i1
        %add3A_342 = arith.addi %rem3A_333, %select_n3A_332 : i32
        %select_n3A_343 = arith.select %and3A_341, %add3A_342, %rem3A_333 : i32
        %add3A_344 = arith.constant 1 : i32
        %add3A_345 = arith.addi %add3A_344, %scan3A_326 : i32
        %get3A = arith.index_cast %select_n3A_343 : i32 to index
        %get3A_346 = arith.index_cast %add3A_345 : i32 to index
        %get3A_347 = arith.constant 0 : index
        %get3A_348 = tpu.vector_load %arg10[%get3A, %get3A_346, %get3A_347] {strides = array<i32>} : memref<3x17x128xf32, #tpu.memory_space<vmem>>, vector<1x1x16xf32>,
        %get3A_349 = vector.shape_cast %get3A_348 : vector<1x1x16xf32> to vector<16xf32>
        %mul3A_350 = arith.constant 8 : i32
        %mul3A_351 = arith.muli %scan3A_326, %mul3A_350 : i32
        %add3A_352 = arith.constant 0 : i32
        %add3A_353 = arith.addi %mul3A_351, %add3A_352 : i32
        %get3A_354 = arith.index_cast %select_n3A_173 : i32 to index
        %get3A_355 = arith.index_cast %add3A_353 : i32 to index
        %get3A_356 = arith.constant 0 : index
        %get3A_357 = tpu.vector_load %arg11[%get3A_354, %get3A_355, %get3A_356] {strides = array<i32>} : memref<2x128x128xf32, #tpu.memory_space<vmem>>, vector<1x1x16xf32>,
        %get3A_358 = vector.shape_cast %get3A_357 : vector<1x1x16xf32> to vector<16xf32>
        %mul3A_359 = arith.mulf %get3A_358, %get3A_349 : vector<16xf32>
        %swap3A = arith.index_cast %select_n3A_173 : i32 to index
        %swap3A_360 = arith.index_cast %add3A_353 : i32 to index
        %swap3A_361 = arith.constant 0 : index
        %swap3A_362 = tpu.vector_load %arg11[%swap3A, %swap3A_360, %swap3A_361] {strides = array<i32>} : memref<2x128x128xf32, #tpu.memory_space<vmem>>, vector<1x1x16xf32>,
        %swap3A_363 = vector.shape_cast %swap3A_362 : vector<1x1x16xf32> to vector<16xf32>
        %swap3A_364 = vector.shape_cast %mul3A_359 : vector<16xf32> to vector<1x1x16xf32>
        tpu.vector_store %arg11[%swap3A, %swap3A_360, %swap3A_361], %swap3A_364 {strides = array<i32>} : memref<2x128x128xf32, #tpu.memory_space<vmem>>, vector<1x1x16xf32>,
        %get3A_365 = arith.index_cast %select_n3A_173 : i32 to index
        %get3A_366 = arith.index_cast %add3A_353 : i32 to index
        %get3A_367 = arith.constant 16 : index
        %get3A_368 = tpu.vector_load %arg11[%get3A_365, %get3A_366, %get3A_367] {strides = array<i32>} : memref<2x128x128xf32, #tpu.memory_space<vmem>>, vector<1x1x16xf32>,
        %get3A_369 = vector.shape_cast %get3A_368 : vector<1x1x16xf32> to vector<16xf32>
        %mul3A_370 = arith.mulf %get3A_369, %get3A_349 : vector<16xf32>
        %swap3A_371 = arith.index_cast %select_n3A_173 : i32 to index
        %swap3A_372 = arith.index_cast %add3A_353 : i32 to index
        %swap3A_373 = arith.constant 16 : index
        %swap3A_374 = tpu.vector_load %arg11[%swap3A_371, %swap3A_372, %swap3A_373] {strides = array<i32>} : memref<2x128x128xf32, #tpu.memory_space<vmem>>, vector<1x1x16xf32>,
        %swap3A_375 = vector.shape_cast %swap3A_374 : vector<1x1x16xf32> to vector<16xf32>
        %swap3A_376 = vector.shape_cast %mul3A_370 : vector<16xf32> to vector<1x1x16xf32>
        tpu.vector_store %arg11[%swap3A_371, %swap3A_372, %swap3A_373], %swap3A_376 {strides = array<i32>} : memref<2x128x128xf32, #tpu.memory_space<vmem>>, vector<1x1x16xf32>,
        %get3A_377 = arith.index_cast %select_n3A_173 : i32 to index
        %get3A_378 = arith.index_cast %add3A_353 : i32 to index
        %get3A_379 = arith.constant 32 : index
        %get3A_380 = tpu.vector_load %arg11[%get3A_377, %get3A_378, %get3A_379] {strides = array<i32>} : memref<2x128x128xf32, #tpu.memory_space<vmem>>, vector<1x1x16xf32>,
        %get3A_381 = vector.shape_cast %get3A_380 : vector<1x1x16xf32> to vector<16xf32>
        %mul3A_382 = arith.mulf %get3A_381, %get3A_349 : vector<16xf32>
        %swap3A_383 = arith.index_cast %select_n3A_173 : i32 to index
        %swap3A_384 = arith.index_cast %add3A_353 : i32 to index
        %swap3A_385 = arith.constant 32 : index
        %swap3A_386 = tpu.vector_load %arg11[%swap3A_383, %swap3A_384, %swap3A_385] {strides = array<i32>} : memref<2x128x128xf32, #tpu.memory_space<vmem>>, vector<1x1x16xf32>,
        %swap3A_387 = vector.shape_cast %swap3A_386 : vector<1x1x16xf32> to vector<16xf32>
        %swap3A_388 = vector.shape_cast %mul3A_382 : vector<16xf32> to vector<1x1x16xf32>
        tpu.vector_store %arg11[%swap3A_383, %swap3A_384, %swap3A_385], %swap3A_388 {strides = array<i32>} : memref<2x128x128xf32, #tpu.memory_space<vmem>>, vector<1x1x16xf32>,
        %get3A_389 = arith.index_cast %select_n3A_173 : i32 to index
        %get3A_390 = arith.index_cast %add3A_353 : i32 to index
        %get3A_391 = arith.constant 48 : index
        %get3A_392 = tpu.vector_load %arg11[%get3A_389, %get3A_390, %get3A_391] {strides = array<i32>} : memref<2x128x128xf32, #tpu.memory_space<vmem>>, vector<1x1x16xf32>,
        %get3A_393 = vector.shape_cast %get3A_392 : vector<1x1x16xf32> to vector<16xf32>
        %mul3A_394 = arith.mulf %get3A_393, %get3A_349 : vector<16xf32>
        %swap3A_395 = arith.index_cast %select_n3A_173 : i32 to index
        %swap3A_396 = arith.index_cast %add3A_353 : i32 to index
        %swap3A_397 = arith.constant 48 : index
        %swap3A_398 = tpu.vector_load %arg11[%swap3A_395, %swap3A_396, %swap3A_397] {strides = array<i32>} : memref<2x128x128xf32, #tpu.memory_space<vmem>>, vector<1x1x16xf32>,
        %swap3A_399 = vector.shape_cast %swap3A_398 : vector<1x1x16xf32> to vector<16xf32>
        %swap3A_400 = vector.shape_cast %mul3A_394 : vector<16xf32> to vector<1x1x16xf32>
        tpu.vector_store %arg11[%swap3A_395, %swap3A_396, %swap3A_397], %swap3A_400 {strides = array<i32>} : memref<2x128x128xf32, #tpu.memory_space<vmem>>, vector<1x1x16xf32>,
        %get3A_401 = arith.index_cast %select_n3A_173 : i32 to index
        %get3A_402 = arith.index_cast %add3A_353 : i32 to index
        %get3A_403 = arith.constant 64 : index
        %get3A_404 = tpu.vector_load %arg11[%get3A_401, %get3A_402, %get3A_403] {strides = array<i32>} : memref<2x128x128xf32, #tpu.memory_space<vmem>>, vector<1x1x16xf32>,
        %get3A_405 = vector.shape_cast %get3A_404 : vector<1x1x16xf32> to vector<16xf32>
        %mul3A_406 = arith.mulf %get3A_405, %get3A_349 : vector<16xf32>
        %swap3A_407 = arith.index_cast %select_n3A_173 : i32 to index
        %swap3A_408 = arith.index_cast %add3A_353 : i32 to index
        %swap3A_409 = arith.constant 64 : index
        %swap3A_410 = tpu.vector_load %arg11[%swap3A_407, %swap3A_408, %swap3A_409] {strides = array<i32>} : memref<2x128x128xf32, #tpu.memory_space<vmem>>, vector<1x1x16xf32>,
        %swap3A_411 = vector.shape_cast %swap3A_410 : vector<1x1x16xf32> to vector<16xf32>
        %swap3A_412 = vector.shape_cast %mul3A_406 : vector<16xf32> to vector<1x1x16xf32>
        tpu.vector_store %arg11[%swap3A_407, %swap3A_408, %swap3A_409], %swap3A_412 {strides = array<i32>} : memref<2x128x128xf32, #tpu.memory_space<vmem>>, vector<1x1x16xf32>,
        %get3A_413 = arith.index_cast %select_n3A_173 : i32 to index
        %get3A_414 = arith.index_cast %add3A_353 : i32 to index
        %get3A_415 = arith.constant 80 : index
        %get3A_416 = tpu.vector_load %arg11[%get3A_413, %get3A_414, %get3A_415] {strides = array<i32>} : memref<2x128x128xf32, #tpu.memory_space<vmem>>, vector<1x1x16xf32>,
        %get3A_417 = vector.shape_cast %get3A_416 : vector<1x1x16xf32> to vector<16xf32>
        %mul3A_418 = arith.mulf %get3A_417, %get3A_349 : vector<16xf32>
        %swap3A_419 = arith.index_cast %select_n3A_173 : i32 to index
        %swap3A_420 = arith.index_cast %add3A_353 : i32 to index
        %swap3A_421 = arith.constant 80 : index
        %swap3A_422 = tpu.vector_load %arg11[%swap3A_419, %swap3A_420, %swap3A_421] {strides = array<i32>} : memref<2x128x128xf32, #tpu.memory_space<vmem>>, vector<1x1x16xf32>,
        %swap3A_423 = vector.shape_cast %swap3A_422 : vector<1x1x16xf32> to vector<16xf32>
        %swap3A_424 = vector.shape_cast %mul3A_418 : vector<16xf32> to vector<1x1x16xf32>
        tpu.vector_store %arg11[%swap3A_419, %swap3A_420, %swap3A_421], %swap3A_424 {strides = array<i32>} : memref<2x128x128xf32, #tpu.memory_space<vmem>>, vector<1x1x16xf32>,
        %get3A_425 = arith.index_cast %select_n3A_173 : i32 to index
        %get3A_426 = arith.index_cast %add3A_353 : i32 to index
        %get3A_427 = arith.constant 96 : index
        %get3A_428 = tpu.vector_load %arg11[%get3A_425, %get3A_426, %get3A_427] {strides = array<i32>} : memref<2x128x128xf32, #tpu.memory_space<vmem>>, vector<1x1x16xf32>,
        %get3A_429 = vector.shape_cast %get3A_428 : vector<1x1x16xf32> to vector<16xf32>
        %mul3A_430 = arith.mulf %get3A_429, %get3A_349 : vector<16xf32>
        %swap3A_431 = arith.index_cast %select_n3A_173 : i32 to index
        %swap3A_432 = arith.index_cast %add3A_353 : i32 to index
        %swap3A_433 = arith.constant 96 : index
        %swap3A_434 = tpu.vector_load %arg11[%swap3A_431, %swap3A_432, %swap3A_433] {strides = array<i32>} : memref<2x128x128xf32, #tpu.memory_space<vmem>>, vector<1x1x16xf32>,
        %swap3A_435 = vector.shape_cast %swap3A_434 : vector<1x1x16xf32> to vector<16xf32>
        %swap3A_436 = vector.shape_cast %mul3A_430 : vector<16xf32> to vector<1x1x16xf32>
        tpu.vector_store %arg11[%swap3A_431, %swap3A_432, %swap3A_433], %swap3A_436 {strides = array<i32>} : memref<2x128x128xf32, #tpu.memory_space<vmem>>, vector<1x1x16xf32>,
        %get3A_437 = arith.index_cast %select_n3A_173 : i32 to index
        %get3A_438 = arith.index_cast %add3A_353 : i32 to index
        %get3A_439 = arith.constant 112 : index
        %get3A_440 = tpu.vector_load %arg11[%get3A_437, %get3A_438, %get3A_439] {strides = array<i32>} : memref<2x128x128xf32, #tpu.memory_space<vmem>>, vector<1x1x16xf32>,
        %get3A_441 = vector.shape_cast %get3A_440 : vector<1x1x16xf32> to vector<16xf32>
        %mul3A_442 = arith.mulf %get3A_441, %get3A_349 : vector<16xf32>
        %swap3A_443 = arith.index_cast %select_n3A_173 : i32 to index
        %swap3A_444 = arith.index_cast %add3A_353 : i32 to index
        %swap3A_445 = arith.constant 112 : index
        %swap3A_446 = tpu.vector_load %arg11[%swap3A_443, %swap3A_444, %swap3A_445] {strides = array<i32>} : memref<2x128x128xf32, #tpu.memory_space<vmem>>, vector<1x1x16xf32>,
        %swap3A_447 = vector.shape_cast %swap3A_446 : vector<1x1x16xf32> to vector<16xf32>
        %swap3A_448 = vector.shape_cast %mul3A_442 : vector<16xf32> to vector<1x1x16xf32>
        tpu.vector_store %arg11[%swap3A_443, %swap3A_444, %swap3A_445], %swap3A_448 {strides = array<i32>} : memref<2x128x128xf32, #tpu.memory_space<vmem>>, vector<1x1x16xf32>,
        %jit3A_449 = arith.constant 3 : i32
        %eq3A_450 = arith.constant 0 : i32
        %eq3A_451 = arith.cmpi eq, %jit3A_449, %eq3A_450 : i32
        %jit3A_452 = arith.constant 1 : i32
        %select_n3A_453 = arith.select %eq3A_451, %jit3A_452, %jit3A_449 : i32
        %rem3A_454 = arith.remsi %scan3A_163, %select_n3A_453 : i32
        %ne3A_455 = arith.constant 0 : i32
        %ne3A_456 = arith.cmpi ne, %rem3A_454, %ne3A_455 : i32
        %lt3A_457 = arith.constant 0 : i32
        %lt3A_458 = arith.cmpi slt, %rem3A_454, %lt3A_457 : i32
        %lt3A_459 = arith.constant 0 : i32
        %lt3A_460 = arith.cmpi slt, %select_n3A_453, %lt3A_459 : i32
        %ne3A_461 = arith.xori %lt3A_458, %lt3A_460 : i1
        %and3A_462 = arith.andi %ne3A_461, %ne3A_456 : i1
        %add3A_463 = arith.addi %rem3A_454, %select_n3A_453 : i32
        %select_n3A_464 = arith.select %and3A_462, %add3A_463, %rem3A_454 : i32
        %add3A_465 = arith.constant 1 : i32
        %add3A_466 = arith.addi %add3A_465, %scan3A_326 : i32
        %get3A_467 = arith.index_cast %select_n3A_464 : i32 to index
        %get3A_468 = arith.index_cast %add3A_466 : i32 to index
        %get3A_469 = arith.constant 16 : index
        %get3A_470 = tpu.vector_load %arg10[%get3A_467, %get3A_468, %get3A_469] {strides = array<i32>} : memref<3x17x128xf32, #tpu.memory_space<vmem>>, vector<1x1x16xf32>,
        %get3A_471 = vector.shape_cast %get3A_470 : vector<1x1x16xf32> to vector<16xf32>
        %mul3A_472 = arith.constant 8 : i32
        %mul3A_473 = arith.muli %scan3A_326, %mul3A_472 : i32
        %add3A_474 = arith.constant 1 : i32
        %add3A_475 = arith.addi %mul3A_473, %add3A_474 : i32
        %get3A_476 = arith.index_cast %select_n3A_173 : i32 to index
        %get3A_477 = arith.index_cast %add3A_475 : i32 to index
        %get3A_478 = arith.constant 0 : index
        %get3A_479 = tpu.vector_load %arg11[%get3A_476, %get3A_477, %get3A_478] {strides = array<i32>} : memref<2x128x128xf32, #tpu.memory_space<vmem>>, vector<1x1x16xf32>,
        %get3A_480 = vector.shape_cast %get3A_479 : vector<1x1x16xf32> to vector<16xf32>
        %mul3A_481 = arith.mulf %get3A_480, %get3A_471 : vector<16xf32>
        %swap3A_482 = arith.index_cast %select_n3A_173 : i32 to index
        %swap3A_483 = arith.index_cast %add3A_475 : i32 to index
        %swap3A_484 = arith.constant 0 : index
        %swap3A_485 = tpu.vector_load %arg11[%swap3A_482, %swap3A_483, %swap3A_484] {strides = array<i32>} : memref<2x128x128xf32, #tpu.memory_space<vmem>>, vector<1x1x16xf32>,
        %swap3A_486 = vector.shape_cast %swap3A_485 : vector<1x1x16xf32> to vector<16xf32>
        %swap3A_487 = vector.shape_cast %mul3A_481 : vector<16xf32> to vector<1x1x16xf32>
        tpu.vector_store %arg11[%swap3A_482, %swap3A_483, %swap3A_484], %swap3A_487 {strides = array<i32>} : memref<2x128x128xf32, #tpu.memory_space<vmem>>, vector<1x1x16xf32>,
        %get3A_488 = arith.index_cast %select_n3A_173 : i32 to index
        %get3A_489 = arith.index_cast %add3A_475 : i32 to index
        %get3A_490 = arith.constant 16 : index
        %get3A_491 = tpu.vector_load %arg11[%get3A_488, %get3A_489, %get3A_490] {strides = array<i32>} : memref<2x128x128xf32, #tpu.memory_space<vmem>>, vector<1x1x16xf32>,
        %get3A_492 = vector.shape_cast %get3A_491 : vector<1x1x16xf32> to vector<16xf32>
        %mul3A_493 = arith.mulf %get3A_492, %get3A_471 : vector<16xf32>
        %swap3A_494 = arith.index_cast %select_n3A_173 : i32 to index
        %swap3A_495 = arith.index_cast %add3A_475 : i32 to index
        %swap3A_496 = arith.constant 16 : index
        %swap3A_497 = tpu.vector_load %arg11[%swap3A_494, %swap3A_495, %swap3A_496] {strides = array<i32>} : memref<2x128x128xf32, #tpu.memory_space<vmem>>, vector<1x1x16xf32>,
        %swap3A_498 = vector.shape_cast %swap3A_497 : vector<1x1x16xf32> to vector<16xf32>
        %swap3A_499 = vector.shape_cast %mul3A_493 : vector<16xf32> to vector<1x1x16xf32>
        tpu.vector_store %arg11[%swap3A_494, %swap3A_495, %swap3A_496], %swap3A_499 {strides = array<i32>} : memref<2x128x128xf32, #tpu.memory_space<vmem>>, vector<1x1x16xf32>,
        %get3A_500 = arith.index_cast %select_n3A_173 : i32 to index
        %get3A_501 = arith.index_cast %add3A_475 : i32 to index
        %get3A_502 = arith.constant 32 : index
        %get3A_503 = tpu.vector_load %arg11[%get3A_500, %get3A_501, %get3A_502] {strides = array<i32>} : memref<2x128x128xf32, #tpu.memory_space<vmem>>, vector<1x1x16xf32>,
        %get3A_504 = vector.shape_cast %get3A_503 : vector<1x1x16xf32> to vector<16xf32>
        %mul3A_505 = arith.mulf %get3A_504, %get3A_471 : vector<16xf32>
        %swap3A_506 = arith.index_cast %select_n3A_173 : i32 to index
        %swap3A_507 = arith.index_cast %add3A_475 : i32 to index
        %swap3A_508 = arith.constant 32 : index
        %swap3A_509 = tpu.vector_load %arg11[%swap3A_506, %swap3A_507, %swap3A_508] {strides = array<i32>} : memref<2x128x128xf32, #tpu.memory_space<vmem>>, vector<1x1x16xf32>,
        %swap3A_510 = vector.shape_cast %swap3A_509 : vector<1x1x16xf32> to vector<16xf32>
        %swap3A_511 = vector.shape_cast %mul3A_505 : vector<16xf32> to vector<1x1x16xf32>
        tpu.vector_store %arg11[%swap3A_506, %swap3A_507, %swap3A_508], %swap3A_511 {strides = array<i32>} : memref<2x128x128xf32, #tpu.memory_space<vmem>>, vector<1x1x16xf32>,
        %get3A_512 = arith.index_cast %select_n3A_173 : i32 to index
        %get3A_513 = arith.index_cast %add3A_475 : i32 to index
        %get3A_514 = arith.constant 48 : index
        %get3A_515 = tpu.vector_load %arg11[%get3A_512, %get3A_513, %get3A_514] {strides = array<i32>} : memref<2x128x128xf32, #tpu.memory_space<vmem>>, vector<1x1x16xf32>,
        %get3A_516 = vector.shape_cast %get3A_515 : vector<1x1x16xf32> to vector<16xf32>
        %mul3A_517 = arith.mulf %get3A_516, %get3A_471 : vector<16xf32>
        %swap3A_518 = arith.index_cast %select_n3A_173 : i32 to index
        %swap3A_519 = arith.index_cast %add3A_475 : i32 to index
        %swap3A_520 = arith.constant 48 : index
        %swap3A_521 = tpu.vector_load %arg11[%swap3A_518, %swap3A_519, %swap3A_520] {strides = array<i32>} : memref<2x128x128xf32, #tpu.memory_space<vmem>>, vector<1x1x16xf32>,
        %swap3A_522 = vector.shape_cast %swap3A_521 : vector<1x1x16xf32> to vector<16xf32>
        %swap3A_523 = vector.shape_cast %mul3A_517 : vector<16xf32> to vector<1x1x16xf32>
        tpu.vector_store %arg11[%swap3A_518, %swap3A_519, %swap3A_520], %swap3A_523 {strides = array<i32>} : memref<2x128x128xf32, #tpu.memory_space<vmem>>, vector<1x1x16xf32>,
        %get3A_524 = arith.index_cast %select_n3A_173 : i32 to index
        %get3A_525 = arith.index_cast %add3A_475 : i32 to index
        %get3A_526 = arith.constant 64 : index
        %get3A_527 = tpu.vector_load %arg11[%get3A_524, %get3A_525, %get3A_526] {strides = array<i32>} : memref<2x128x128xf32, #tpu.memory_space<vmem>>, vector<1x1x16xf32>,
        %get3A_528 = vector.shape_cast %get3A_527 : vector<1x1x16xf32> to vector<16xf32>
        %mul3A_529 = arith.mulf %get3A_528, %get3A_471 : vector<16xf32>
        %swap3A_530 = arith.index_cast %select_n3A_173 : i32 to index
        %swap3A_531 = arith.index_cast %add3A_475 : i32 to index
        %swap3A_532 = arith.constant 64 : index
        %swap3A_533 = tpu.vector_load %arg11[%swap3A_530, %swap3A_531, %swap3A_532] {strides = array<i32>} : memref<2x128x128xf32, #tpu.memory_space<vmem>>, vector<1x1x16xf32>,
        %swap3A_534 = vector.shape_cast %swap3A_533 : vector<1x1x16xf32> to vector<16xf32>
        %swap3A_535 = vector.shape_cast %mul3A_529 : vector<16xf32> to vector<1x1x16xf32>
        tpu.vector_store %arg11[%swap3A_530, %swap3A_531, %swap3A_532], %swap3A_535 {strides = array<i32>} : memref<2x128x128xf32, #tpu.memory_space<vmem>>, vector<1x1x16xf32>,
        %get3A_536 = arith.index_cast %select_n3A_173 : i32 to index
        %get3A_537 = arith.index_cast %add3A_475 : i32 to index
        %get3A_538 = arith.constant 80 : index
        %get3A_539 = tpu.vector_load %arg11[%get3A_536, %get3A_537, %get3A_538] {strides = array<i32>} : memref<2x128x128xf32, #tpu.memory_space<vmem>>, vector<1x1x16xf32>,
        %get3A_540 = vector.shape_cast %get3A_539 : vector<1x1x16xf32> to vector<16xf32>
        %mul3A_541 = arith.mulf %get3A_540, %get3A_471 : vector<16xf32>
        %swap3A_542 = arith.index_cast %select_n3A_173 : i32 to index
        %swap3A_543 = arith.index_cast %add3A_475 : i32 to index
        %swap3A_544 = arith.constant 80 : index
        %swap3A_545 = tpu.vector_load %arg11[%swap3A_542, %swap3A_543, %swap3A_544] {strides = array<i32>} : memref<2x128x128xf32, #tpu.memory_space<vmem>>, vector<1x1x16xf32>,
        %swap3A_546 = vector.shape_cast %swap3A_545 : vector<1x1x16xf32> to vector<16xf32>
        %swap3A_547 = vector.shape_cast %mul3A_541 : vector<16xf32> to vector<1x1x16xf32>
        tpu.vector_store %arg11[%swap3A_542, %swap3A_543, %swap3A_544], %swap3A_547 {strides = array<i32>} : memref<2x128x128xf32, #tpu.memory_space<vmem>>, vector<1x1x16xf32>,
        %get3A_548 = arith.index_cast %select_n3A_173 : i32 to index
        %get3A_549 = arith.index_cast %add3A_475 : i32 to index
        %get3A_550 = arith.constant 96 : index
        %get3A_551 = tpu.vector_load %arg11[%get3A_548, %get3A_549, %get3A_550] {strides = array<i32>} : memref<2x128x128xf32, #tpu.memory_space<vmem>>, vector<1x1x16xf32>,
        %get3A_552 = vector.shape_cast %get3A_551 : vector<1x1x16xf32> to vector<16xf32>
        %mul3A_553 = arith.mulf %get3A_552, %get3A_471 : vector<16xf32>
        %swap3A_554 = arith.index_cast %select_n3A_173 : i32 to index
        %swap3A_555 = arith.index_cast %add3A_475 : i32 to index
        %swap3A_556 = arith.constant 96 : index
        %swap3A_557 = tpu.vector_load %arg11[%swap3A_554, %swap3A_555, %swap3A_556] {strides = array<i32>} : memref<2x128x128xf32, #tpu.memory_space<vmem>>, vector<1x1x16xf32>,
        %swap3A_558 = vector.shape_cast %swap3A_557 : vector<1x1x16xf32> to vector<16xf32>
        %swap3A_559 = vector.shape_cast %mul3A_553 : vector<16xf32> to vector<1x1x16xf32>
        tpu.vector_store %arg11[%swap3A_554, %swap3A_555, %swap3A_556], %swap3A_559 {strides = array<i32>} : memref<2x128x128xf32, #tpu.memory_space<vmem>>, vector<1x1x16xf32>,
        %get3A_560 = arith.index_cast %select_n3A_173 : i32 to index
        %get3A_561 = arith.index_cast %add3A_475 : i32 to index
        %get3A_562 = arith.constant 112 : index
        %get3A_563 = tpu.vector_load %arg11[%get3A_560, %get3A_561, %get3A_562] {strides = array<i32>} : memref<2x128x128xf32, #tpu.memory_space<vmem>>, vector<1x1x16xf32>,
        %get3A_564 = vector.shape_cast %get3A_563 : vector<1x1x16xf32> to vector<16xf32>
        %mul3A_565 = arith.mulf %get3A_564, %get3A_471 : vector<16xf32>
        %swap3A_566 = arith.index_cast %select_n3A_173 : i32 to index
        %swap3A_567 = arith.index_cast %add3A_475 : i32 to index
        %swap3A_568 = arith.constant 112 : index
        %swap3A_569 = tpu.vector_load %arg11[%swap3A_566, %swap3A_567, %swap3A_568] {strides = array<i32>} : memref<2x128x128xf32, #tpu.memory_space<vmem>>, vector<1x1x16xf32>,
        %swap3A_570 = vector.shape_cast %swap3A_569 : vector<1x1x16xf32> to vector<16xf32>
        %swap3A_571 = vector.shape_cast %mul3A_565 : vector<16xf32> to vector<1x1x16xf32>
        tpu.vector_store %arg11[%swap3A_566, %swap3A_567, %swap3A_568], %swap3A_571 {strides = array<i32>} : memref<2x128x128xf32, #tpu.memory_space<vmem>>, vector<1x1x16xf32>,
        %jit3A_572 = arith.constant 3 : i32
        %eq3A_573 = arith.constant 0 : i32
        %eq3A_574 = arith.cmpi eq, %jit3A_572, %eq3A_573 : i32
        %jit3A_575 = arith.constant 1 : i32
        %select_n3A_576 = arith.select %eq3A_574, %jit3A_575, %jit3A_572 : i32
        %rem3A_577 = arith.remsi %scan3A_163, %select_n3A_576 : i32
        %ne3A_578 = arith.constant 0 : i32
        %ne3A_579 = arith.cmpi ne, %rem3A_577, %ne3A_578 : i32
        %lt3A_580 = arith.constant 0 : i32
        %lt3A_581 = arith.cmpi slt, %rem3A_577, %lt3A_580 : i32
        %lt3A_582 = arith.constant 0 : i32
        %lt3A_583 = arith.cmpi slt, %select_n3A_576, %lt3A_582 : i32
        %ne3A_584 = arith.xori %lt3A_581, %lt3A_583 : i1
        %and3A_585 = arith.andi %ne3A_584, %ne3A_579 : i1
        %add3A_586 = arith.addi %rem3A_577, %select_n3A_576 : i32
        %select_n3A_587 = arith.select %and3A_585, %add3A_586, %rem3A_577 : i32
        %add3A_588 = arith.constant 1 : i32
        %add3A_589 = arith.addi %add3A_588, %scan3A_326 : i32
        %get3A_590 = arith.index_cast %select_n3A_587 : i32 to index
        %get3A_591 = arith.index_cast %add3A_589 : i32 to index
        %get3A_592 = arith.constant 32 : index
        %get3A_593 = tpu.vector_load %arg10[%get3A_590, %get3A_591, %get3A_592] {strides = array<i32>} : memref<3x17x128xf32, #tpu.memory_space<vmem>>, vector<1x1x16xf32>,
        %get3A_594 = vector.shape_cast %get3A_593 : vector<1x1x16xf32> to vector<16xf32>
        %mul3A_595 = arith.constant 8 : i32
        %mul3A_596 = arith.muli %scan3A_326, %mul3A_595 : i32
        %add3A_597 = arith.constant 2 : i32
        %add3A_598 = arith.addi %mul3A_596, %add3A_597 : i32
        %get3A_599 = arith.index_cast %select_n3A_173 : i32 to index
        %get3A_600 = arith.index_cast %add3A_598 : i32 to index
        %get3A_601 = arith.constant 0 : index
        %get3A_602 = tpu.vector_load %arg11[%get3A_599, %get3A_600, %get3A_601] {strides = array<i32>} : memref<2x128x128xf32, #tpu.memory_space<vmem>>, vector<1x1x16xf32>,
        %get3A_603 = vector.shape_cast %get3A_602 : vector<1x1x16xf32> to vector<16xf32>
        %mul3A_604 = arith.mulf %get3A_603, %get3A_594 : vector<16xf32>
        %swap3A_605 = arith.index_cast %select_n3A_173 : i32 to index
        %swap3A_606 = arith.index_cast %add3A_598 : i32 to index
        %swap3A_607 = arith.constant 0 : index
        %swap3A_608 = tpu.vector_load %arg11[%swap3A_605, %swap3A_606, %swap3A_607] {strides = array<i32>} : memref<2x128x128xf32, #tpu.memory_space<vmem>>, vector<1x1x16xf32>,
        %swap3A_609 = vector.shape_cast %swap3A_608 : vector<1x1x16xf32> to vector<16xf32>
        %swap3A_610 = vector.shape_cast %mul3A_604 : vector<16xf32> to vector<1x1x16xf32>
        tpu.vector_store %arg11[%swap3A_605, %swap3A_606, %swap3A_607], %swap3A_610 {strides = array<i32>} : memref<2x128x128xf32, #tpu.memory_space<vmem>>, vector<1x1x16xf32>,
        %get3A_611 = arith.index_cast %select_n3A_173 : i32 to index
        %get3A_612 = arith.index_cast %add3A_598 : i32 to index
        %get3A_613 = arith.constant 16 : index
        %get3A_614 = tpu.vector_load %arg11[%get3A_611, %get3A_612, %get3A_613] {strides = array<i32>} : memref<2x128x128xf32, #tpu.memory_space<vmem>>, vector<1x1x16xf32>,
        %get3A_615 = vector.shape_cast %get3A_614 : vector<1x1x16xf32> to vector<16xf32>
        %mul3A_616 = arith.mulf %get3A_615, %get3A_594 : vector<16xf32>
        %swap3A_617 = arith.index_cast %select_n3A_173 : i32 to index
        %swap3A_618 = arith.index_cast %add3A_598 : i32 to index
        %swap3A_619 = arith.constant 16 : index
        %swap3A_620 = tpu.vector_load %arg11[%swap3A_617, %swap3A_618, %swap3A_619] {strides = array<i32>} : memref<2x128x128xf32, #tpu.memory_space<vmem>>, vector<1x1x16xf32>,
        %swap3A_621 = vector.shape_cast %swap3A_620 : vector<1x1x16xf32> to vector<16xf32>
        %swap3A_622 = vector.shape_cast %mul3A_616 : vector<16xf32> to vector<1x1x16xf32>
        tpu.vector_store %arg11[%swap3A_617, %swap3A_618, %swap3A_619], %swap3A_622 {strides = array<i32>} : memref<2x128x128xf32, #tpu.memory_space<vmem>>, vector<1x1x16xf32>,
        %get3A_623 = arith.index_cast %select_n3A_173 : i32 to index
        %get3A_624 = arith.index_cast %add3A_598 : i32 to index
        %get3A_625 = arith.constant 32 : index
        %get3A_626 = tpu.vector_load %arg11[%get3A_623, %get3A_624, %get3A_625] {strides = array<i32>} : memref<2x128x128xf32, #tpu.memory_space<vmem>>, vector<1x1x16xf32>,
        %get3A_627 = vector.shape_cast %get3A_626 : vector<1x1x16xf32> to vector<16xf32>
        %mul3A_628 = arith.mulf %get3A_627, %get3A_594 : vector<16xf32>
        %swap3A_629 = arith.index_cast %select_n3A_173 : i32 to index
        %swap3A_630 = arith.index_cast %add3A_598 : i32 to index
        %swap3A_631 = arith.constant 32 : index
        %swap3A_632 = tpu.vector_load %arg11[%swap3A_629, %swap3A_630, %swap3A_631] {strides = array<i32>} : memref<2x128x128xf32, #tpu.memory_space<vmem>>, vector<1x1x16xf32>,
        %swap3A_633 = vector.shape_cast %swap3A_632 : vector<1x1x16xf32> to vector<16xf32>
        %swap3A_634 = vector.shape_cast %mul3A_628 : vector<16xf32> to vector<1x1x16xf32>
        tpu.vector_store %arg11[%swap3A_629, %swap3A_630, %swap3A_631], %swap3A_634 {strides = array<i32>} : memref<2x128x128xf32, #tpu.memory_space<vmem>>, vector<1x1x16xf32>,
        %get3A_635 = arith.index_cast %select_n3A_173 : i32 to index
        %get3A_636 = arith.index_cast %add3A_598 : i32 to index
        %get3A_637 = arith.constant 48 : index
        %get3A_638 = tpu.vector_load %arg11[%get3A_635, %get3A_636, %get3A_637] {strides = array<i32>} : memref<2x128x128xf32, #tpu.memory_space<vmem>>, vector<1x1x16xf32>,
        %get3A_639 = vector.shape_cast %get3A_638 : vector<1x1x16xf32> to vector<16xf32>
        %mul3A_640 = arith.mulf %get3A_639, %get3A_594 : vector<16xf32>
        %swap3A_641 = arith.index_cast %select_n3A_173 : i32 to index
        %swap3A_642 = arith.index_cast %add3A_598 : i32 to index
        %swap3A_643 = arith.constant 48 : index
        %swap3A_644 = tpu.vector_load %arg11[%swap3A_641, %swap3A_642, %swap3A_643] {strides = array<i32>} : memref<2x128x128xf32, #tpu.memory_space<vmem>>, vector<1x1x16xf32>,
        %swap3A_645 = vector.shape_cast %swap3A_644 : vector<1x1x16xf32> to vector<16xf32>
        %swap3A_646 = vector.shape_cast %mul3A_640 : vector<16xf32> to vector<1x1x16xf32>
        tpu.vector_store %arg11[%swap3A_641, %swap3A_642, %swap3A_643], %swap3A_646 {strides = array<i32>} : memref<2x128x128xf32, #tpu.memory_space<vmem>>, vector<1x1x16xf32>,
        %get3A_647 = arith.index_cast %select_n3A_173 : i32 to index
        %get3A_648 = arith.index_cast %add3A_598 : i32 to index
        %get3A_649 = arith.constant 64 : index
        %get3A_650 = tpu.vector_load %arg11[%get3A_647, %get3A_648, %get3A_649] {strides = array<i32>} : memref<2x128x128xf32, #tpu.memory_space<vmem>>, vector<1x1x16xf32>,
        %get3A_651 = vector.shape_cast %get3A_650 : vector<1x1x16xf32> to vector<16xf32>
        %mul3A_652 = arith.mulf %get3A_651, %get3A_594 : vector<16xf32>
        %swap3A_653 = arith.index_cast %select_n3A_173 : i32 to index
        %swap3A_654 = arith.index_cast %add3A_598 : i32 to index
        %swap3A_655 = arith.constant 64 : index
        %swap3A_656 = tpu.vector_load %arg11[%swap3A_653, %swap3A_654, %swap3A_655] {strides = array<i32>} : memref<2x128x128xf32, #tpu.memory_space<vmem>>, vector<1x1x16xf32>,
        %swap3A_657 = vector.shape_cast %swap3A_656 : vector<1x1x16xf32> to vector<16xf32>
        %swap3A_658 = vector.shape_cast %mul3A_652 : vector<16xf32> to vector<1x1x16xf32>
        tpu.vector_store %arg11[%swap3A_653, %swap3A_654, %swap3A_655], %swap3A_658 {strides = array<i32>} : memref<2x128x128xf32, #tpu.memory_space<vmem>>, vector<1x1x16xf32>,
        %get3A_659 = arith.index_cast %select_n3A_173 : i32 to index
        %get3A_660 = arith.index_cast %add3A_598 : i32 to index
        %get3A_661 = arith.constant 80 : index
        %get3A_662 = tpu.vector_load %arg11[%get3A_659, %get3A_660, %get3A_661] {strides = array<i32>} : memref<2x128x128xf32, #tpu.memory_space<vmem>>, vector<1x1x16xf32>,
        %get3A_663 = vector.shape_cast %get3A_662 : vector<1x1x16xf32> to vector<16xf32>
        %mul3A_664 = arith.mulf %get3A_663, %get3A_594 : vector<16xf32>
        %swap3A_665 = arith.index_cast %select_n3A_173 : i32 to index
        %swap3A_666 = arith.index_cast %add3A_598 : i32 to index
        %swap3A_667 = arith.constant 80 : index
        %swap3A_668 = tpu.vector_load %arg11[%swap3A_665, %swap3A_666, %swap3A_667] {strides = array<i32>} : memref<2x128x128xf32, #tpu.memory_space<vmem>>, vector<1x1x16xf32>,
        %swap3A_669 = vector.shape_cast %swap3A_668 : vector<1x1x16xf32> to vector<16xf32>
        %swap3A_670 = vector.shape_cast %mul3A_664 : vector<16xf32> to vector<1x1x16xf32>
        tpu.vector_store %arg11[%swap3A_665, %swap3A_666, %swap3A_667], %swap3A_670 {strides = array<i32>} : memref<2x128x128xf32, #tpu.memory_space<vmem>>, vector<1x1x16xf32>,
        %get3A_671 = arith.index_cast %select_n3A_173 : i32 to index
        %get3A_672 = arith.index_cast %add3A_598 : i32 to index
        %get3A_673 = arith.constant 96 : index
        %get3A_674 = tpu.vector_load %arg11[%get3A_671, %get3A_672, %get3A_673] {strides = array<i32>} : memref<2x128x128xf32, #tpu.memory_space<vmem>>, vector<1x1x16xf32>,
        %get3A_675 = vector.shape_cast %get3A_674 : vector<1x1x16xf32> to vector<16xf32>
        %mul3A_676 = arith.mulf %get3A_675, %get3A_594 : vector<16xf32>
        %swap3A_677 = arith.index_cast %select_n3A_173 : i32 to index
        %swap3A_678 = arith.index_cast %add3A_598 : i32 to index
        %swap3A_679 = arith.constant 96 : index
        %swap3A_680 = tpu.vector_load %arg11[%swap3A_677, %swap3A_678, %swap3A_679] {strides = array<i32>} : memref<2x128x128xf32, #tpu.memory_space<vmem>>, vector<1x1x16xf32>,
        %swap3A_681 = vector.shape_cast %swap3A_680 : vector<1x1x16xf32> to vector<16xf32>
        %swap3A_682 = vector.shape_cast %mul3A_676 : vector<16xf32> to vector<1x1x16xf32>
        tpu.vector_store %arg11[%swap3A_677, %swap3A_678, %swap3A_679], %swap3A_682 {strides = array<i32>} : memref<2x128x128xf32, #tpu.memory_space<vmem>>, vector<1x1x16xf32>,
        %get3A_683 = arith.index_cast %select_n3A_173 : i32 to index
        %get3A_684 = arith.index_cast %add3A_598 : i32 to index
        %get3A_685 = arith.constant 112 : index
        %get3A_686 = tpu.vector_load %arg11[%get3A_683, %get3A_684, %get3A_685] {strides = array<i32>} : memref<2x128x128xf32, #tpu.memory_space<vmem>>, vector<1x1x16xf32>,
        %get3A_687 = vector.shape_cast %get3A_686 : vector<1x1x16xf32> to vector<16xf32>
        %mul3A_688 = arith.mulf %get3A_687, %get3A_594 : vector<16xf32>
        %swap3A_689 = arith.index_cast %select_n3A_173 : i32 to index
        %swap3A_690 = arith.index_cast %add3A_598 : i32 to index
        %swap3A_691 = arith.constant 112 : index
        %swap3A_692 = tpu.vector_load %arg11[%swap3A_689, %swap3A_690, %swap3A_691] {strides = array<i32>} : memref<2x128x128xf32, #tpu.memory_space<vmem>>, vector<1x1x16xf32>,
        %swap3A_693 = vector.shape_cast %swap3A_692 : vector<1x1x16xf32> to vector<16xf32>
        %swap3A_694 = vector.shape_cast %mul3A_688 : vector<16xf32> to vector<1x1x16xf32>
        tpu.vector_store %arg11[%swap3A_689, %swap3A_690, %swap3A_691], %swap3A_694 {strides = array<i32>} : memref<2x128x128xf32, #tpu.memory_space<vmem>>, vector<1x1x16xf32>,
        %jit3A_695 = arith.constant 3 : i32
        %eq3A_696 = arith.constant 0 : i32
        %eq3A_697 = arith.cmpi eq, %jit3A_695, %eq3A_696 : i32
        %jit3A_698 = arith.constant 1 : i32
        %select_n3A_699 = arith.select %eq3A_697, %jit3A_698, %jit3A_695 : i32
        %rem3A_700 = arith.remsi %scan3A_163, %select_n3A_699 : i32
        %ne3A_701 = arith.constant 0 : i32
        %ne3A_702 = arith.cmpi ne, %rem3A_700, %ne3A_701 : i32
        %lt3A_703 = arith.constant 0 : i32
        %lt3A_704 = arith.cmpi slt, %rem3A_700, %lt3A_703 : i32
        %lt3A_705 = arith.constant 0 : i32
        %lt3A_706 = arith.cmpi slt, %select_n3A_699, %lt3A_705 : i32
        %ne3A_707 = arith.xori %lt3A_704, %lt3A_706 : i1
        %and3A_708 = arith.andi %ne3A_707, %ne3A_702 : i1
        %add3A_709 = arith.addi %rem3A_700, %select_n3A_699 : i32
        %select_n3A_710 = arith.select %and3A_708, %add3A_709, %rem3A_700 : i32
        %add3A_711 = arith.constant 1 : i32
        %add3A_712 = arith.addi %add3A_711, %scan3A_326 : i32
        %get3A_713 = arith.index_cast %select_n3A_710 : i32 to index
        %get3A_714 = arith.index_cast %add3A_712 : i32 to index
        %get3A_715 = arith.constant 48 : index
        %get3A_716 = tpu.vector_load %arg10[%get3A_713, %get3A_714, %get3A_715] {strides = array<i32>} : memref<3x17x128xf32, #tpu.memory_space<vmem>>, vector<1x1x16xf32>,
        %get3A_717 = vector.shape_cast %get3A_716 : vector<1x1x16xf32> to vector<16xf32>
        %mul3A_718 = arith.constant 8 : i32
        %mul3A_719 = arith.muli %scan3A_326, %mul3A_718 : i32
        %add3A_720 = arith.constant 3 : i32
        %add3A_721 = arith.addi %mul3A_719, %add3A_720 : i32
        %get3A_722 = arith.index_cast %select_n3A_173 : i32 to index
        %get3A_723 = arith.index_cast %add3A_721 : i32 to index
        %get3A_724 = arith.constant 0 : index
        %get3A_725 = tpu.vector_load %arg11[%get3A_722, %get3A_723, %get3A_724] {strides = array<i32>} : memref<2x128x128xf32, #tpu.memory_space<vmem>>, vector<1x1x16xf32>,
        %get3A_726 = vector.shape_cast %get3A_725 : vector<1x1x16xf32> to vector<16xf32>
        %mul3A_727 = arith.mulf %get3A_726, %get3A_717 : vector<16xf32>
        %swap3A_728 = arith.index_cast %select_n3A_173 : i32 to index
        %swap3A_729 = arith.index_cast %add3A_721 : i32 to index
        %swap3A_730 = arith.constant 0 : index
        %swap3A_731 = tpu.vector_load %arg11[%swap3A_728, %swap3A_729, %swap3A_730] {strides = array<i32>} : memref<2x128x128xf32, #tpu.memory_space<vmem>>, vector<1x1x16xf32>,
        %swap3A_732 = vector.shape_cast %swap3A_731 : vector<1x1x16xf32> to vector<16xf32>
        %swap3A_733 = vector.shape_cast %mul3A_727 : vector<16xf32> to vector<1x1x16xf32>
        tpu.vector_store %arg11[%swap3A_728, %swap3A_729, %swap3A_730], %swap3A_733 {strides = array<i32>} : memref<2x128x128xf32, #tpu.memory_space<vmem>>, vector<1x1x16xf32>,
        %get3A_734 = arith.index_cast %select_n3A_173 : i32 to index
        %get3A_735 = arith.index_cast %add3A_721 : i32 to index
        %get3A_736 = arith.constant 16 : index
        %get3A_737 = tpu.vector_load %arg11[%get3A_734, %get3A_735, %get3A_736] {strides = array<i32>} : memref<2x128x128xf32, #tpu.memory_space<vmem>>, vector<1x1x16xf32>,
        %get3A_738 = vector.shape_cast %get3A_737 : vector<1x1x16xf32> to vector<16xf32>
        %mul3A_739 = arith.mulf %get3A_738, %get3A_717 : vector<16xf32>
        %swap3A_740 = arith.index_cast %select_n3A_173 : i32 to index
        %swap3A_741 = arith.index_cast %add3A_721 : i32 to index
        %swap3A_742 = arith.constant 16 : index
        %swap3A_743 = tpu.vector_load %arg11[%swap3A_740, %swap3A_741, %swap3A_742] {strides = array<i32>} : memref<2x128x128xf32, #tpu.memory_space<vmem>>, vector<1x1x16xf32>,
        %swap3A_744 = vector.shape_cast %swap3A_743 : vector<1x1x16xf32> to vector<16xf32>
        %swap3A_745 = vector.shape_cast %mul3A_739 : vector<16xf32> to vector<1x1x16xf32>
        tpu.vector_store %arg11[%swap3A_740, %swap3A_741, %swap3A_742], %swap3A_745 {strides = array<i32>} : memref<2x128x128xf32, #tpu.memory_space<vmem>>, vector<1x1x16xf32>,
        %get3A_746 = arith.index_cast %select_n3A_173 : i32 to index
        %get3A_747 = arith.index_cast %add3A_721 : i32 to index
        %get3A_748 = arith.constant 32 : index
        %get3A_749 = tpu.vector_load %arg11[%get3A_746, %get3A_747, %get3A_748] {strides = array<i32>} : memref<2x128x128xf32, #tpu.memory_space<vmem>>, vector<1x1x16xf32>,
        %get3A_750 = vector.shape_cast %get3A_749 : vector<1x1x16xf32> to vector<16xf32>
        %mul3A_751 = arith.mulf %get3A_750, %get3A_717 : vector<16xf32>
        %swap3A_752 = arith.index_cast %select_n3A_173 : i32 to index
        %swap3A_753 = arith.index_cast %add3A_721 : i32 to index
        %swap3A_754 = arith.constant 32 : index
        %swap3A_755 = tpu.vector_load %arg11[%swap3A_752, %swap3A_753, %swap3A_754] {strides = array<i32>} : memref<2x128x128xf32, #tpu.memory_space<vmem>>, vector<1x1x16xf32>,
        %swap3A_756 = vector.shape_cast %swap3A_755 : vector<1x1x16xf32> to vector<16xf32>
        %swap3A_757 = vector.shape_cast %mul3A_751 : vector<16xf32> to vector<1x1x16xf32>
        tpu.vector_store %arg11[%swap3A_752, %swap3A_753, %swap3A_754], %swap3A_757 {strides = array<i32>} : memref<2x128x128xf32, #tpu.memory_space<vmem>>, vector<1x1x16xf32>,
        %get3A_758 = arith.index_cast %select_n3A_173 : i32 to index
        %get3A_759 = arith.index_cast %add3A_721 : i32 to index
        %get3A_760 = arith.constant 48 : index
        %get3A_761 = tpu.vector_load %arg11[%get3A_758, %get3A_759, %get3A_760] {strides = array<i32>} : memref<2x128x128xf32, #tpu.memory_space<vmem>>, vector<1x1x16xf32>,
        %get3A_762 = vector.shape_cast %get3A_761 : vector<1x1x16xf32> to vector<16xf32>
        %mul3A_763 = arith.mulf %get3A_762, %get3A_717 : vector<16xf32>
        %swap3A_764 = arith.index_cast %select_n3A_173 : i32 to index
        %swap3A_765 = arith.index_cast %add3A_721 : i32 to index
        %swap3A_766 = arith.constant 48 : index
        %swap3A_767 = tpu.vector_load %arg11[%swap3A_764, %swap3A_765, %swap3A_766] {strides = array<i32>} : memref<2x128x128xf32, #tpu.memory_space<vmem>>, vector<1x1x16xf32>,
        %swap3A_768 = vector.shape_cast %swap3A_767 : vector<1x1x16xf32> to vector<16xf32>
        %swap3A_769 = vector.shape_cast %mul3A_763 : vector<16xf32> to vector<1x1x16xf32>
        tpu.vector_store %arg11[%swap3A_764, %swap3A_765, %swap3A_766], %swap3A_769 {strides = array<i32>} : memref<2x128x128xf32, #tpu.memory_space<vmem>>, vector<1x1x16xf32>,
        %get3A_770 = arith.index_cast %select_n3A_173 : i32 to index
        %get3A_771 = arith.index_cast %add3A_721 : i32 to index
        %get3A_772 = arith.constant 64 : index
        %get3A_773 = tpu.vector_load %arg11[%get3A_770, %get3A_771, %get3A_772] {strides = array<i32>} : memref<2x128x128xf32, #tpu.memory_space<vmem>>, vector<1x1x16xf32>,
        %get3A_774 = vector.shape_cast %get3A_773 : vector<1x1x16xf32> to vector<16xf32>
        %mul3A_775 = arith.mulf %get3A_774, %get3A_717 : vector<16xf32>
        %swap3A_776 = arith.index_cast %select_n3A_173 : i32 to index
        %swap3A_777 = arith.index_cast %add3A_721 : i32 to index
        %swap3A_778 = arith.constant 64 : index
        %swap3A_779 = tpu.vector_load %arg11[%swap3A_776, %swap3A_777, %swap3A_778] {strides = array<i32>} : memref<2x128x128xf32, #tpu.memory_space<vmem>>, vector<1x1x16xf32>,
        %swap3A_780 = vector.shape_cast %swap3A_779 : vector<1x1x16xf32> to vector<16xf32>
        %swap3A_781 = vector.shape_cast %mul3A_775 : vector<16xf32> to vector<1x1x16xf32>
        tpu.vector_store %arg11[%swap3A_776, %swap3A_777, %swap3A_778], %swap3A_781 {strides = array<i32>} : memref<2x128x128xf32, #tpu.memory_space<vmem>>, vector<1x1x16xf32>,
        %get3A_782 = arith.index_cast %select_n3A_173 : i32 to index
        %get3A_783 = arith.index_cast %add3A_721 : i32 to index
        %get3A_784 = arith.constant 80 : index
        %get3A_785 = tpu.vector_load %arg11[%get3A_782, %get3A_783, %get3A_784] {strides = array<i32>} : memref<2x128x128xf32, #tpu.memory_space<vmem>>, vector<1x1x16xf32>,
        %get3A_786 = vector.shape_cast %get3A_785 : vector<1x1x16xf32> to vector<16xf32>
        %mul3A_787 = arith.mulf %get3A_786, %get3A_717 : vector<16xf32>
        %swap3A_788 = arith.index_cast %select_n3A_173 : i32 to index
        %swap3A_789 = arith.index_cast %add3A_721 : i32 to index
        %swap3A_790 = arith.constant 80 : index
        %swap3A_791 = tpu.vector_load %arg11[%swap3A_788, %swap3A_789, %swap3A_790] {strides = array<i32>} : memref<2x128x128xf32, #tpu.memory_space<vmem>>, vector<1x1x16xf32>,
        %swap3A_792 = vector.shape_cast %swap3A_791 : vector<1x1x16xf32> to vector<16xf32>
        %swap3A_793 = vector.shape_cast %mul3A_787 : vector<16xf32> to vector<1x1x16xf32>
        tpu.vector_store %arg11[%swap3A_788, %swap3A_789, %swap3A_790], %swap3A_793 {strides = array<i32>} : memref<2x128x128xf32, #tpu.memory_space<vmem>>, vector<1x1x16xf32>,
        %get3A_794 = arith.index_cast %select_n3A_173 : i32 to index
        %get3A_795 = arith.index_cast %add3A_721 : i32 to index
        %get3A_796 = arith.constant 96 : index
        %get3A_797 = tpu.vector_load %arg11[%get3A_794, %get3A_795, %get3A_796] {strides = array<i32>} : memref<2x128x128xf32, #tpu.memory_space<vmem>>, vector<1x1x16xf32>,
        %get3A_798 = vector.shape_cast %get3A_797 : vector<1x1x16xf32> to vector<16xf32>
        %mul3A_799 = arith.mulf %get3A_798, %get3A_717 : vector<16xf32>
        %swap3A_800 = arith.index_cast %select_n3A_173 : i32 to index
        %swap3A_801 = arith.index_cast %add3A_721 : i32 to index
        %swap3A_802 = arith.constant 96 : index
        %swap3A_803 = tpu.vector_load %arg11[%swap3A_800, %swap3A_801, %swap3A_802] {strides = array<i32>} : memref<2x128x128xf32, #tpu.memory_space<vmem>>, vector<1x1x16xf32>,
        %swap3A_804 = vector.shape_cast %swap3A_803 : vector<1x1x16xf32> to vector<16xf32>
        %swap3A_805 = vector.shape_cast %mul3A_799 : vector<16xf32> to vector<1x1x16xf32>
        tpu.vector_store %arg11[%swap3A_800, %swap3A_801, %swap3A_802], %swap3A_805 {strides = array<i32>} : memref<2x128x128xf32, #tpu.memory_space<vmem>>, vector<1x1x16xf32>,
        %get3A_806 = arith.index_cast %select_n3A_173 : i32 to index
        %get3A_807 = arith.index_cast %add3A_721 : i32 to index
        %get3A_808 = arith.constant 112 : index
        %get3A_809 = tpu.vector_load %arg11[%get3A_806, %get3A_807, %get3A_808] {strides = array<i32>} : memref<2x128x128xf32, #tpu.memory_space<vmem>>, vector<1x1x16xf32>,
        %get3A_810 = vector.shape_cast %get3A_809 : vector<1x1x16xf32> to vector<16xf32>
        %mul3A_811 = arith.mulf %get3A_810, %get3A_717 : vector<16xf32>
        %swap3A_812 = arith.index_cast %select_n3A_173 : i32 to index
        %swap3A_813 = arith.index_cast %add3A_721 : i32 to index
        %swap3A_814 = arith.constant 112 : index
        %swap3A_815 = tpu.vector_load %arg11[%swap3A_812, %swap3A_813, %swap3A_814] {strides = array<i32>} : memref<2x128x128xf32, #tpu.memory_space<vmem>>, vector<1x1x16xf32>,
        %swap3A_816 = vector.shape_cast %swap3A_815 : vector<1x1x16xf32> to vector<16xf32>
        %swap3A_817 = vector.shape_cast %mul3A_811 : vector<16xf32> to vector<1x1x16xf32>
        tpu.vector_store %arg11[%swap3A_812, %swap3A_813, %swap3A_814], %swap3A_817 {strides = array<i32>} : memref<2x128x128xf32, #tpu.memory_space<vmem>>, vector<1x1x16xf32>,
        %jit3A_818 = arith.constant 3 : i32
        %eq3A_819 = arith.constant 0 : i32
        %eq3A_820 = arith.cmpi eq, %jit3A_818, %eq3A_819 : i32
        %jit3A_821 = arith.constant 1 : i32
        %select_n3A_822 = arith.select %eq3A_820, %jit3A_821, %jit3A_818 : i32
        %rem3A_823 = arith.remsi %scan3A_163, %select_n3A_822 : i32
        %ne3A_824 = arith.constant 0 : i32
        %ne3A_825 = arith.cmpi ne, %rem3A_823, %ne3A_824 : i32
        %lt3A_826 = arith.constant 0 : i32
        %lt3A_827 = arith.cmpi slt, %rem3A_823, %lt3A_826 : i32
        %lt3A_828 = arith.constant 0 : i32
        %lt3A_829 = arith.cmpi slt, %select_n3A_822, %lt3A_828 : i32
        %ne3A_830 = arith.xori %lt3A_827, %lt3A_829 : i1
        %and3A_831 = arith.andi %ne3A_830, %ne3A_825 : i1
        %add3A_832 = arith.addi %rem3A_823, %select_n3A_822 : i32
        %select_n3A_833 = arith.select %and3A_831, %add3A_832, %rem3A_823 : i32
        %add3A_834 = arith.constant 1 : i32
        %add3A_835 = arith.addi %add3A_834, %scan3A_326 : i32
        %get3A_836 = arith.index_cast %select_n3A_833 : i32 to index
        %get3A_837 = arith.index_cast %add3A_835 : i32 to index
        %get3A_838 = arith.constant 64 : index
        %get3A_839 = tpu.vector_load %arg10[%get3A_836, %get3A_837, %get3A_838] {strides = array<i32>} : memref<3x17x128xf32, #tpu.memory_space<vmem>>, vector<1x1x16xf32>,
        %get3A_840 = vector.shape_cast %get3A_839 : vector<1x1x16xf32> to vector<16xf32>
        %mul3A_841 = arith.constant 8 : i32
        %mul3A_842 = arith.muli %scan3A_326, %mul3A_841 : i32
        %add3A_843 = arith.constant 4 : i32
        %add3A_844 = arith.addi %mul3A_842, %add3A_843 : i32
        %get3A_845 = arith.index_cast %select_n3A_173 : i32 to index
        %get3A_846 = arith.index_cast %add3A_844 : i32 to index
        %get3A_847 = arith.constant 0 : index
        %get3A_848 = tpu.vector_load %arg11[%get3A_845, %get3A_846, %get3A_847] {strides = array<i32>} : memref<2x128x128xf32, #tpu.memory_space<vmem>>, vector<1x1x16xf32>,
        %get3A_849 = vector.shape_cast %get3A_848 : vector<1x1x16xf32> to vector<16xf32>
        %mul3A_850 = arith.mulf %get3A_849, %get3A_840 : vector<16xf32>
        %swap3A_851 = arith.index_cast %select_n3A_173 : i32 to index
        %swap3A_852 = arith.index_cast %add3A_844 : i32 to index
        %swap3A_853 = arith.constant 0 : index
        %swap3A_854 = tpu.vector_load %arg11[%swap3A_851, %swap3A_852, %swap3A_853] {strides = array<i32>} : memref<2x128x128xf32, #tpu.memory_space<vmem>>, vector<1x1x16xf32>,
        %swap3A_855 = vector.shape_cast %swap3A_854 : vector<1x1x16xf32> to vector<16xf32>
        %swap3A_856 = vector.shape_cast %mul3A_850 : vector<16xf32> to vector<1x1x16xf32>
        tpu.vector_store %arg11[%swap3A_851, %swap3A_852, %swap3A_853], %swap3A_856 {strides = array<i32>} : memref<2x128x128xf32, #tpu.memory_space<vmem>>, vector<1x1x16xf32>,
        %get3A_857 = arith.index_cast %select_n3A_173 : i32 to index
        %get3A_858 = arith.index_cast %add3A_844 : i32 to index
        %get3A_859 = arith.constant 16 : index
        %get3A_860 = tpu.vector_load %arg11[%get3A_857, %get3A_858, %get3A_859] {strides = array<i32>} : memref<2x128x128xf32, #tpu.memory_space<vmem>>, vector<1x1x16xf32>,
        %get3A_861 = vector.shape_cast %get3A_860 : vector<1x1x16xf32> to vector<16xf32>
        %mul3A_862 = arith.mulf %get3A_861, %get3A_840 : vector<16xf32>
        %swap3A_863 = arith.index_cast %select_n3A_173 : i32 to index
        %swap3A_864 = arith.index_cast %add3A_844 : i32 to index
        %swap3A_865 = arith.constant 16 : index
        %swap3A_866 = tpu.vector_load %arg11[%swap3A_863, %swap3A_864, %swap3A_865] {strides = array<i32>} : memref<2x128x128xf32, #tpu.memory_space<vmem>>, vector<1x1x16xf32>,
        %swap3A_867 = vector.shape_cast %swap3A_866 : vector<1x1x16xf32> to vector<16xf32>
        %swap3A_868 = vector.shape_cast %mul3A_862 : vector<16xf32> to vector<1x1x16xf32>
        tpu.vector_store %arg11[%swap3A_863, %swap3A_864, %swap3A_865], %swap3A_868 {strides = array<i32>} : memref<2x128x128xf32, #tpu.memory_space<vmem>>, vector<1x1x16xf32>,
        %get3A_869 = arith.index_cast %select_n3A_173 : i32 to index
        %get3A_870 = arith.index_cast %add3A_844 : i32 to index
        %get3A_871 = arith.constant 32 : index
        %get3A_872 = tpu.vector_load %arg11[%get3A_869, %get3A_870, %get3A_871] {strides = array<i32>} : memref<2x128x128xf32, #tpu.memory_space<vmem>>, vector<1x1x16xf32>,
        %get3A_873 = vector.shape_cast %get3A_872 : vector<1x1x16xf32> to vector<16xf32>
        %mul3A_874 = arith.mulf %get3A_873, %get3A_840 : vector<16xf32>
        %swap3A_875 = arith.index_cast %select_n3A_173 : i32 to index
        %swap3A_876 = arith.index_cast %add3A_844 : i32 to index
        %swap3A_877 = arith.constant 32 : index
        %swap3A_878 = tpu.vector_load %arg11[%swap3A_875, %swap3A_876, %swap3A_877] {strides = array<i32>} : memref<2x128x128xf32, #tpu.memory_space<vmem>>, vector<1x1x16xf32>,
        %swap3A_879 = vector.shape_cast %swap3A_878 : vector<1x1x16xf32> to vector<16xf32>
        %swap3A_880 = vector.shape_cast %mul3A_874 : vector<16xf32> to vector<1x1x16xf32>
        tpu.vector_store %arg11[%swap3A_875, %swap3A_876, %swap3A_877], %swap3A_880 {strides = array<i32>} : memref<2x128x128xf32, #tpu.memory_space<vmem>>, vector<1x1x16xf32>,
        %get3A_881 = arith.index_cast %select_n3A_173 : i32 to index
        %get3A_882 = arith.index_cast %add3A_844 : i32 to index
        %get3A_883 = arith.constant 48 : index
        %get3A_884 = tpu.vector_load %arg11[%get3A_881, %get3A_882, %get3A_883] {strides = array<i32>} : memref<2x128x128xf32, #tpu.memory_space<vmem>>, vector<1x1x16xf32>,
        %get3A_885 = vector.shape_cast %get3A_884 : vector<1x1x16xf32> to vector<16xf32>
        %mul3A_886 = arith.mulf %get3A_885, %get3A_840 : vector<16xf32>
        %swap3A_887 = arith.index_cast %select_n3A_173 : i32 to index
        %swap3A_888 = arith.index_cast %add3A_844 : i32 to index
        %swap3A_889 = arith.constant 48 : index
        %swap3A_890 = tpu.vector_load %arg11[%swap3A_887, %swap3A_888, %swap3A_889] {strides = array<i32>} : memref<2x128x128xf32, #tpu.memory_space<vmem>>, vector<1x1x16xf32>,
        %swap3A_891 = vector.shape_cast %swap3A_890 : vector<1x1x16xf32> to vector<16xf32>
        %swap3A_892 = vector.shape_cast %mul3A_886 : vector<16xf32> to vector<1x1x16xf32>
        tpu.vector_store %arg11[%swap3A_887, %swap3A_888, %swap3A_889], %swap3A_892 {strides = array<i32>} : memref<2x128x128xf32, #tpu.memory_space<vmem>>, vector<1x1x16xf32>,
        %get3A_893 = arith.index_cast %select_n3A_173 : i32 to index
        %get3A_894 = arith.index_cast %add3A_844 : i32 to index
        %get3A_895 = arith.constant 64 : index
        %get3A_896 = tpu.vector_load %arg11[%get3A_893, %get3A_894, %get3A_895] {strides = array<i32>} : memref<2x128x128xf32, #tpu.memory_space<vmem>>, vector<1x1x16xf32>,
        %get3A_897 = vector.shape_cast %get3A_896 : vector<1x1x16xf32> to vector<16xf32>
        %mul3A_898 = arith.mulf %get3A_897, %get3A_840 : vector<16xf32>
        %swap3A_899 = arith.index_cast %select_n3A_173 : i32 to index
        %swap3A_900 = arith.index_cast %add3A_844 : i32 to index
        %swap3A_901 = arith.constant 64 : index
        %swap3A_902 = tpu.vector_load %arg11[%swap3A_899, %swap3A_900, %swap3A_901] {strides = array<i32>} : memref<2x128x128xf32, #tpu.memory_space<vmem>>, vector<1x1x16xf32>,
        %swap3A_903 = vector.shape_cast %swap3A_902 : vector<1x1x16xf32> to vector<16xf32>
        %swap3A_904 = vector.shape_cast %mul3A_898 : vector<16xf32> to vector<1x1x16xf32>
        tpu.vector_store %arg11[%swap3A_899, %swap3A_900, %swap3A_901], %swap3A_904 {strides = array<i32>} : memref<2x128x128xf32, #tpu.memory_space<vmem>>, vector<1x1x16xf32>,
        %get3A_905 = arith.index_cast %select_n3A_173 : i32 to index
        %get3A_906 = arith.index_cast %add3A_844 : i32 to index
        %get3A_907 = arith.constant 80 : index
        %get3A_908 = tpu.vector_load %arg11[%get3A_905, %get3A_906, %get3A_907] {strides = array<i32>} : memref<2x128x128xf32, #tpu.memory_space<vmem>>, vector<1x1x16xf32>,
        %get3A_909 = vector.shape_cast %get3A_908 : vector<1x1x16xf32> to vector<16xf32>
        %mul3A_910 = arith.mulf %get3A_909, %get3A_840 : vector<16xf32>
        %swap3A_911 = arith.index_cast %select_n3A_173 : i32 to index
        %swap3A_912 = arith.index_cast %add3A_844 : i32 to index
        %swap3A_913 = arith.constant 80 : index
        %swap3A_914 = tpu.vector_load %arg11[%swap3A_911, %swap3A_912, %swap3A_913] {strides = array<i32>} : memref<2x128x128xf32, #tpu.memory_space<vmem>>, vector<1x1x16xf32>,
        %swap3A_915 = vector.shape_cast %swap3A_914 : vector<1x1x16xf32> to vector<16xf32>
        %swap3A_916 = vector.shape_cast %mul3A_910 : vector<16xf32> to vector<1x1x16xf32>
        tpu.vector_store %arg11[%swap3A_911, %swap3A_912, %swap3A_913], %swap3A_916 {strides = array<i32>} : memref<2x128x128xf32, #tpu.memory_space<vmem>>, vector<1x1x16xf32>,
        %get3A_917 = arith.index_cast %select_n3A_173 : i32 to index
        %get3A_918 = arith.index_cast %add3A_844 : i32 to index
        %get3A_919 = arith.constant 96 : index
        %get3A_920 = tpu.vector_load %arg11[%get3A_917, %get3A_918, %get3A_919] {strides = array<i32>} : memref<2x128x128xf32, #tpu.memory_space<vmem>>, vector<1x1x16xf32>,
        %get3A_921 = vector.shape_cast %get3A_920 : vector<1x1x16xf32> to vector<16xf32>
        %mul3A_922 = arith.mulf %get3A_921, %get3A_840 : vector<16xf32>
        %swap3A_923 = arith.index_cast %select_n3A_173 : i32 to index
        %swap3A_924 = arith.index_cast %add3A_844 : i32 to index
        %swap3A_925 = arith.constant 96 : index
        %swap3A_926 = tpu.vector_load %arg11[%swap3A_923, %swap3A_924, %swap3A_925] {strides = array<i32>} : memref<2x128x128xf32, #tpu.memory_space<vmem>>, vector<1x1x16xf32>,
        %swap3A_927 = vector.shape_cast %swap3A_926 : vector<1x1x16xf32> to vector<16xf32>
        %swap3A_928 = vector.shape_cast %mul3A_922 : vector<16xf32> to vector<1x1x16xf32>
        tpu.vector_store %arg11[%swap3A_923, %swap3A_924, %swap3A_925], %swap3A_928 {strides = array<i32>} : memref<2x128x128xf32, #tpu.memory_space<vmem>>, vector<1x1x16xf32>,
        %get3A_929 = arith.index_cast %select_n3A_173 : i32 to index
        %get3A_930 = arith.index_cast %add3A_844 : i32 to index
        %get3A_931 = arith.constant 112 : index
        %get3A_932 = tpu.vector_load %arg11[%get3A_929, %get3A_930, %get3A_931] {strides = array<i32>} : memref<2x128x128xf32, #tpu.memory_space<vmem>>, vector<1x1x16xf32>,
        %get3A_933 = vector.shape_cast %get3A_932 : vector<1x1x16xf32> to vector<16xf32>
        %mul3A_934 = arith.mulf %get3A_933, %get3A_840 : vector<16xf32>
        %swap3A_935 = arith.index_cast %select_n3A_173 : i32 to index
        %swap3A_936 = arith.index_cast %add3A_844 : i32 to index
        %swap3A_937 = arith.constant 112 : index
        %swap3A_938 = tpu.vector_load %arg11[%swap3A_935, %swap3A_936, %swap3A_937] {strides = array<i32>} : memref<2x128x128xf32, #tpu.memory_space<vmem>>, vector<1x1x16xf32>,
        %swap3A_939 = vector.shape_cast %swap3A_938 : vector<1x1x16xf32> to vector<16xf32>
        %swap3A_940 = vector.shape_cast %mul3A_934 : vector<16xf32> to vector<1x1x16xf32>
        tpu.vector_store %arg11[%swap3A_935, %swap3A_936, %swap3A_937], %swap3A_940 {strides = array<i32>} : memref<2x128x128xf32, #tpu.memory_space<vmem>>, vector<1x1x16xf32>,
        %jit3A_941 = arith.constant 3 : i32
        %eq3A_942 = arith.constant 0 : i32
        %eq3A_943 = arith.cmpi eq, %jit3A_941, %eq3A_942 : i32
        %jit3A_944 = arith.constant 1 : i32
        %select_n3A_945 = arith.select %eq3A_943, %jit3A_944, %jit3A_941 : i32
        %rem3A_946 = arith.remsi %scan3A_163, %select_n3A_945 : i32
        %ne3A_947 = arith.constant 0 : i32
        %ne3A_948 = arith.cmpi ne, %rem3A_946, %ne3A_947 : i32
        %lt3A_949 = arith.constant 0 : i32
        %lt3A_950 = arith.cmpi slt, %rem3A_946, %lt3A_949 : i32
        %lt3A_951 = arith.constant 0 : i32
        %lt3A_952 = arith.cmpi slt, %select_n3A_945, %lt3A_951 : i32
        %ne3A_953 = arith.xori %lt3A_950, %lt3A_952 : i1
        %and3A_954 = arith.andi %ne3A_953, %ne3A_948 : i1
        %add3A_955 = arith.addi %rem3A_946, %select_n3A_945 : i32
        %select_n3A_956 = arith.select %and3A_954, %add3A_955, %rem3A_946 : i32
        %add3A_957 = arith.constant 1 : i32
        %add3A_958 = arith.addi %add3A_957, %scan3A_326 : i32
        %get3A_959 = arith.index_cast %select_n3A_956 : i32 to index
        %get3A_960 = arith.index_cast %add3A_958 : i32 to index
        %get3A_961 = arith.constant 80 : index
        %get3A_962 = tpu.vector_load %arg10[%get3A_959, %get3A_960, %get3A_961] {strides = array<i32>} : memref<3x17x128xf32, #tpu.memory_space<vmem>>, vector<1x1x16xf32>,
        %get3A_963 = vector.shape_cast %get3A_962 : vector<1x1x16xf32> to vector<16xf32>
        %mul3A_964 = arith.constant 8 : i32
        %mul3A_965 = arith.muli %scan3A_326, %mul3A_964 : i32
        %add3A_966 = arith.constant 5 : i32
        %add3A_967 = arith.addi %mul3A_965, %add3A_966 : i32
        %get3A_968 = arith.index_cast %select_n3A_173 : i32 to index
        %get3A_969 = arith.index_cast %add3A_967 : i32 to index
        %get3A_970 = arith.constant 0 : index
        %get3A_971 = tpu.vector_load %arg11[%get3A_968, %get3A_969, %get3A_970] {strides = array<i32>} : memref<2x128x128xf32, #tpu.memory_space<vmem>>, vector<1x1x16xf32>,
        %get3A_972 = vector.shape_cast %get3A_971 : vector<1x1x16xf32> to vector<16xf32>
        %mul3A_973 = arith.mulf %get3A_972, %get3A_963 : vector<16xf32>
        %swap3A_974 = arith.index_cast %select_n3A_173 : i32 to index
        %swap3A_975 = arith.index_cast %add3A_967 : i32 to index
        %swap3A_976 = arith.constant 0 : index
        %swap3A_977 = tpu.vector_load %arg11[%swap3A_974, %swap3A_975, %swap3A_976] {strides = array<i32>} : memref<2x128x128xf32, #tpu.memory_space<vmem>>, vector<1x1x16xf32>,
        %swap3A_978 = vector.shape_cast %swap3A_977 : vector<1x1x16xf32> to vector<16xf32>
        %swap3A_979 = vector.shape_cast %mul3A_973 : vector<16xf32> to vector<1x1x16xf32>
        tpu.vector_store %arg11[%swap3A_974, %swap3A_975, %swap3A_976], %swap3A_979 {strides = array<i32>} : memref<2x128x128xf32, #tpu.memory_space<vmem>>, vector<1x1x16xf32>,
        %get3A_980 = arith.index_cast %select_n3A_173 : i32 to index
        %get3A_981 = arith.index_cast %add3A_967 : i32 to index
        %get3A_982 = arith.constant 16 : index
        %get3A_983 = tpu.vector_load %arg11[%get3A_980, %get3A_981, %get3A_982] {strides = array<i32>} : memref<2x128x128xf32, #tpu.memory_space<vmem>>, vector<1x1x16xf32>,
        %get3A_984 = vector.shape_cast %get3A_983 : vector<1x1x16xf32> to vector<16xf32>
        %mul3A_985 = arith.mulf %get3A_984, %get3A_963 : vector<16xf32>
        %swap3A_986 = arith.index_cast %select_n3A_173 : i32 to index
        %swap3A_987 = arith.index_cast %add3A_967 : i32 to index
        %swap3A_988 = arith.constant 16 : index
        %swap3A_989 = tpu.vector_load %arg11[%swap3A_986, %swap3A_987, %swap3A_988] {strides = array<i32>} : memref<2x128x128xf32, #tpu.memory_space<vmem>>, vector<1x1x16xf32>,
        %swap3A_990 = vector.shape_cast %swap3A_989 : vector<1x1x16xf32> to vector<16xf32>
        %swap3A_991 = vector.shape_cast %mul3A_985 : vector<16xf32> to vector<1x1x16xf32>
        tpu.vector_store %arg11[%swap3A_986, %swap3A_987, %swap3A_988], %swap3A_991 {strides = array<i32>} : memref<2x128x128xf32, #tpu.memory_space<vmem>>, vector<1x1x16xf32>,
        %get3A_992 = arith.index_cast %select_n3A_173 : i32 to index
        %get3A_993 = arith.index_cast %add3A_967 : i32 to index
        %get3A_994 = arith.constant 32 : index
        %get3A_995 = tpu.vector_load %arg11[%get3A_992, %get3A_993, %get3A_994] {strides = array<i32>} : memref<2x128x128xf32, #tpu.memory_space<vmem>>, vector<1x1x16xf32>,
        %get3A_996 = vector.shape_cast %get3A_995 : vector<1x1x16xf32> to vector<16xf32>
        %mul3A_997 = arith.mulf %get3A_996, %get3A_963 : vector<16xf32>
        %swap3A_998 = arith.index_cast %select_n3A_173 : i32 to index
        %swap3A_999 = arith.index_cast %add3A_967 : i32 to index
        %swap3A_1000 = arith.constant 32 : index
        %swap3A_1001 = tpu.vector_load %arg11[%swap3A_998, %swap3A_999, %swap3A_1000] {strides = array<i32>} : memref<2x128x128xf32, #tpu.memory_space<vmem>>, vector<1x1x16xf32>,
        %swap3A_1002 = vector.shape_cast %swap3A_1001 : vector<1x1x16xf32> to vector<16xf32>
        %swap3A_1003 = vector.shape_cast %mul3A_997 : vector<16xf32> to vector<1x1x16xf32>
        tpu.vector_store %arg11[%swap3A_998, %swap3A_999, %swap3A_1000], %swap3A_1003 {strides = array<i32>} : memref<2x128x128xf32, #tpu.memory_space<vmem>>, vector<1x1x16xf32>,
        %get3A_1004 = arith.index_cast %select_n3A_173 : i32 to index
        %get3A_1005 = arith.index_cast %add3A_967 : i32 to index
        %get3A_1006 = arith.constant 48 : index
        %get3A_1007 = tpu.vector_load %arg11[%get3A_1004, %get3A_1005, %get3A_1006] {strides = array<i32>} : memref<2x128x128xf32, #tpu.memory_space<vmem>>, vector<1x1x16xf32>,
        %get3A_1008 = vector.shape_cast %get3A_1007 : vector<1x1x16xf32> to vector<16xf32>
        %mul3A_1009 = arith.mulf %get3A_1008, %get3A_963 : vector<16xf32>
        %swap3A_1010 = arith.index_cast %select_n3A_173 : i32 to index
        %swap3A_1011 = arith.index_cast %add3A_967 : i32 to index
        %swap3A_1012 = arith.constant 48 : index
        %swap3A_1013 = tpu.vector_load %arg11[%swap3A_1010, %swap3A_1011, %swap3A_1012] {strides = array<i32>} : memref<2x128x128xf32, #tpu.memory_space<vmem>>, vector<1x1x16xf32>,
        %swap3A_1014 = vector.shape_cast %swap3A_1013 : vector<1x1x16xf32> to vector<16xf32>
        %swap3A_1015 = vector.shape_cast %mul3A_1009 : vector<16xf32> to vector<1x1x16xf32>
        tpu.vector_store %arg11[%swap3A_1010, %swap3A_1011, %swap3A_1012], %swap3A_1015 {strides = array<i32>} : memref<2x128x128xf32, #tpu.memory_space<vmem>>, vector<1x1x16xf32>,
        %get3A_1016 = arith.index_cast %select_n3A_173 : i32 to index
        %get3A_1017 = arith.index_cast %add3A_967 : i32 to index
        %get3A_1018 = arith.constant 64 : index
        %get3A_1019 = tpu.vector_load %arg11[%get3A_1016, %get3A_1017, %get3A_1018] {strides = array<i32>} : memref<2x128x128xf32, #tpu.memory_space<vmem>>, vector<1x1x16xf32>,
        %get3A_1020 = vector.shape_cast %get3A_1019 : vector<1x1x16xf32> to vector<16xf32>
        %mul3A_1021 = arith.mulf %get3A_1020, %get3A_963 : vector<16xf32>
        %swap3A_1022 = arith.index_cast %select_n3A_173 : i32 to index
        %swap3A_1023 = arith.index_cast %add3A_967 : i32 to index
        %swap3A_1024 = arith.constant 64 : index
        %swap3A_1025 = tpu.vector_load %arg11[%swap3A_1022, %swap3A_1023, %swap3A_1024] {strides = array<i32>} : memref<2x128x128xf32, #tpu.memory_space<vmem>>, vector<1x1x16xf32>,
        %swap3A_1026 = vector.shape_cast %swap3A_1025 : vector<1x1x16xf32> to vector<16xf32>
        %swap3A_1027 = vector.shape_cast %mul3A_1021 : vector<16xf32> to vector<1x1x16xf32>
        tpu.vector_store %arg11[%swap3A_1022, %swap3A_1023, %swap3A_1024], %swap3A_1027 {strides = array<i32>} : memref<2x128x128xf32, #tpu.memory_space<vmem>>, vector<1x1x16xf32>,
        %get3A_1028 = arith.index_cast %select_n3A_173 : i32 to index
        %get3A_1029 = arith.index_cast %add3A_967 : i32 to index
        %get3A_1030 = arith.constant 80 : index
        %get3A_1031 = tpu.vector_load %arg11[%get3A_1028, %get3A_1029, %get3A_1030] {strides = array<i32>} : memref<2x128x128xf32, #tpu.memory_space<vmem>>, vector<1x1x16xf32>,
        %get3A_1032 = vector.shape_cast %get3A_1031 : vector<1x1x16xf32> to vector<16xf32>
        %mul3A_1033 = arith.mulf %get3A_1032, %get3A_963 : vector<16xf32>
        %swap3A_1034 = arith.index_cast %select_n3A_173 : i32 to index
        %swap3A_1035 = arith.index_cast %add3A_967 : i32 to index
        %swap3A_1036 = arith.constant 80 : index
        %swap3A_1037 = tpu.vector_load %arg11[%swap3A_1034, %swap3A_1035, %swap3A_1036] {strides = array<i32>} : memref<2x128x128xf32, #tpu.memory_space<vmem>>, vector<1x1x16xf32>,
        %swap3A_1038 = vector.shape_cast %swap3A_1037 : vector<1x1x16xf32> to vector<16xf32>
        %swap3A_1039 = vector.shape_cast %mul3A_1033 : vector<16xf32> to vector<1x1x16xf32>
        tpu.vector_store %arg11[%swap3A_1034, %swap3A_1035, %swap3A_1036], %swap3A_1039 {strides = array<i32>} : memref<2x128x128xf32, #tpu.memory_space<vmem>>, vector<1x1x16xf32>,
        %get3A_1040 = arith.index_cast %select_n3A_173 : i32 to index
        %get3A_1041 = arith.index_cast %add3A_967 : i32 to index
        %get3A_1042 = arith.constant 96 : index
        %get3A_1043 = tpu.vector_load %arg11[%get3A_1040, %get3A_1041, %get3A_1042] {strides = array<i32>} : memref<2x128x128xf32, #tpu.memory_space<vmem>>, vector<1x1x16xf32>,
        %get3A_1044 = vector.shape_cast %get3A_1043 : vector<1x1x16xf32> to vector<16xf32>
        %mul3A_1045 = arith.mulf %get3A_1044, %get3A_963 : vector<16xf32>
        %swap3A_1046 = arith.index_cast %select_n3A_173 : i32 to index
        %swap3A_1047 = arith.index_cast %add3A_967 : i32 to index
        %swap3A_1048 = arith.constant 96 : index
        %swap3A_1049 = tpu.vector_load %arg11[%swap3A_1046, %swap3A_1047, %swap3A_1048] {strides = array<i32>} : memref<2x128x128xf32, #tpu.memory_space<vmem>>, vector<1x1x16xf32>,
        %swap3A_1050 = vector.shape_cast %swap3A_1049 : vector<1x1x16xf32> to vector<16xf32>
        %swap3A_1051 = vector.shape_cast %mul3A_1045 : vector<16xf32> to vector<1x1x16xf32>
        tpu.vector_store %arg11[%swap3A_1046, %swap3A_1047, %swap3A_1048], %swap3A_1051 {strides = array<i32>} : memref<2x128x128xf32, #tpu.memory_space<vmem>>, vector<1x1x16xf32>,
        %get3A_1052 = arith.index_cast %select_n3A_173 : i32 to index
        %get3A_1053 = arith.index_cast %add3A_967 : i32 to index
        %get3A_1054 = arith.constant 112 : index
        %get3A_1055 = tpu.vector_load %arg11[%get3A_1052, %get3A_1053, %get3A_1054] {strides = array<i32>} : memref<2x128x128xf32, #tpu.memory_space<vmem>>, vector<1x1x16xf32>,
        %get3A_1056 = vector.shape_cast %get3A_1055 : vector<1x1x16xf32> to vector<16xf32>
        %mul3A_1057 = arith.mulf %get3A_1056, %get3A_963 : vector<16xf32>
        %swap3A_1058 = arith.index_cast %select_n3A_173 : i32 to index
        %swap3A_1059 = arith.index_cast %add3A_967 : i32 to index
        %swap3A_1060 = arith.constant 112 : index
        %swap3A_1061 = tpu.vector_load %arg11[%swap3A_1058, %swap3A_1059, %swap3A_1060] {strides = array<i32>} : memref<2x128x128xf32, #tpu.memory_space<vmem>>, vector<1x1x16xf32>,
        %swap3A_1062 = vector.shape_cast %swap3A_1061 : vector<1x1x16xf32> to vector<16xf32>
        %swap3A_1063 = vector.shape_cast %mul3A_1057 : vector<16xf32> to vector<1x1x16xf32>
        tpu.vector_store %arg11[%swap3A_1058, %swap3A_1059, %swap3A_1060], %swap3A_1063 {strides = array<i32>} : memref<2x128x128xf32, #tpu.memory_space<vmem>>, vector<1x1x16xf32>,
        %jit3A_1064 = arith.constant 3 : i32
        %eq3A_1065 = arith.constant 0 : i32
        %eq3A_1066 = arith.cmpi eq, %jit3A_1064, %eq3A_1065 : i32
        %jit3A_1067 = arith.constant 1 : i32
        %select_n3A_1068 = arith.select %eq3A_1066, %jit3A_1067, %jit3A_1064 : i32
        %rem3A_1069 = arith.remsi %scan3A_163, %select_n3A_1068 : i32
        %ne3A_1070 = arith.constant 0 : i32
        %ne3A_1071 = arith.cmpi ne, %rem3A_1069, %ne3A_1070 : i32
        %lt3A_1072 = arith.constant 0 : i32
        %lt3A_1073 = arith.cmpi slt, %rem3A_1069, %lt3A_1072 : i32
        %lt3A_1074 = arith.constant 0 : i32
        %lt3A_1075 = arith.cmpi slt, %select_n3A_1068, %lt3A_1074 : i32
        %ne3A_1076 = arith.xori %lt3A_1073, %lt3A_1075 : i1
        %and3A_1077 = arith.andi %ne3A_1076, %ne3A_1071 : i1
        %add3A_1078 = arith.addi %rem3A_1069, %select_n3A_1068 : i32
        %select_n3A_1079 = arith.select %and3A_1077, %add3A_1078, %rem3A_1069 : i32
        %add3A_1080 = arith.constant 1 : i32
        %add3A_1081 = arith.addi %add3A_1080, %scan3A_326 : i32
        %get3A_1082 = arith.index_cast %select_n3A_1079 : i32 to index
        %get3A_1083 = arith.index_cast %add3A_1081 : i32 to index
        %get3A_1084 = arith.constant 96 : index
        %get3A_1085 = tpu.vector_load %arg10[%get3A_1082, %get3A_1083, %get3A_1084] {strides = array<i32>} : memref<3x17x128xf32, #tpu.memory_space<vmem>>, vector<1x1x16xf32>,
        %get3A_1086 = vector.shape_cast %get3A_1085 : vector<1x1x16xf32> to vector<16xf32>
        %mul3A_1087 = arith.constant 8 : i32
        %mul3A_1088 = arith.muli %scan3A_326, %mul3A_1087 : i32
        %add3A_1089 = arith.constant 6 : i32
        %add3A_1090 = arith.addi %mul3A_1088, %add3A_1089 : i32
        %get3A_1091 = arith.index_cast %select_n3A_173 : i32 to index
        %get3A_1092 = arith.index_cast %add3A_1090 : i32 to index
        %get3A_1093 = arith.constant 0 : index
        %get3A_1094 = tpu.vector_load %arg11[%get3A_1091, %get3A_1092, %get3A_1093] {strides = array<i32>} : memref<2x128x128xf32, #tpu.memory_space<vmem>>, vector<1x1x16xf32>,
        %get3A_1095 = vector.shape_cast %get3A_1094 : vector<1x1x16xf32> to vector<16xf32>
        %mul3A_1096 = arith.mulf %get3A_1095, %get3A_1086 : vector<16xf32>
        %swap3A_1097 = arith.index_cast %select_n3A_173 : i32 to index
        %swap3A_1098 = arith.index_cast %add3A_1090 : i32 to index
        %swap3A_1099 = arith.constant 0 : index
        %swap3A_1100 = tpu.vector_load %arg11[%swap3A_1097, %swap3A_1098, %swap3A_1099] {strides = array<i32>} : memref<2x128x128xf32, #tpu.memory_space<vmem>>, vector<1x1x16xf32>,
        %swap3A_1101 = vector.shape_cast %swap3A_1100 : vector<1x1x16xf32> to vector<16xf32>
        %swap3A_1102 = vector.shape_cast %mul3A_1096 : vector<16xf32> to vector<1x1x16xf32>
        tpu.vector_store %arg11[%swap3A_1097, %swap3A_1098, %swap3A_1099], %swap3A_1102 {strides = array<i32>} : memref<2x128x128xf32, #tpu.memory_space<vmem>>, vector<1x1x16xf32>,
        %get3A_1103 = arith.index_cast %select_n3A_173 : i32 to index
        %get3A_1104 = arith.index_cast %add3A_1090 : i32 to index
        %get3A_1105 = arith.constant 16 : index
        %get3A_1106 = tpu.vector_load %arg11[%get3A_1103, %get3A_1104, %get3A_1105] {strides = array<i32>} : memref<2x128x128xf32, #tpu.memory_space<vmem>>, vector<1x1x16xf32>,
        %get3A_1107 = vector.shape_cast %get3A_1106 : vector<1x1x16xf32> to vector<16xf32>
        %mul3A_1108 = arith.mulf %get3A_1107, %get3A_1086 : vector<16xf32>
        %swap3A_1109 = arith.index_cast %select_n3A_173 : i32 to index
        %swap3A_1110 = arith.index_cast %add3A_1090 : i32 to index
        %swap3A_1111 = arith.constant 16 : index
        %swap3A_1112 = tpu.vector_load %arg11[%swap3A_1109, %swap3A_1110, %swap3A_1111] {strides = array<i32>} : memref<2x128x128xf32, #tpu.memory_space<vmem>>, vector<1x1x16xf32>,
        %swap3A_1113 = vector.shape_cast %swap3A_1112 : vector<1x1x16xf32> to vector<16xf32>
        %swap3A_1114 = vector.shape_cast %mul3A_1108 : vector<16xf32> to vector<1x1x16xf32>
        tpu.vector_store %arg11[%swap3A_1109, %swap3A_1110, %swap3A_1111], %swap3A_1114 {strides = array<i32>} : memref<2x128x128xf32, #tpu.memory_space<vmem>>, vector<1x1x16xf32>,
        %get3A_1115 = arith.index_cast %select_n3A_173 : i32 to index
        %get3A_1116 = arith.index_cast %add3A_1090 : i32 to index
        %get3A_1117 = arith.constant 32 : index
        %get3A_1118 = tpu.vector_load %arg11[%get3A_1115, %get3A_1116, %get3A_1117] {strides = array<i32>} : memref<2x128x128xf32, #tpu.memory_space<vmem>>, vector<1x1x16xf32>,
        %get3A_1119 = vector.shape_cast %get3A_1118 : vector<1x1x16xf32> to vector<16xf32>
        %mul3A_1120 = arith.mulf %get3A_1119, %get3A_1086 : vector<16xf32>
        %swap3A_1121 = arith.index_cast %select_n3A_173 : i32 to index
        %swap3A_1122 = arith.index_cast %add3A_1090 : i32 to index
        %swap3A_1123 = arith.constant 32 : index
        %swap3A_1124 = tpu.vector_load %arg11[%swap3A_1121, %swap3A_1122, %swap3A_1123] {strides = array<i32>} : memref<2x128x128xf32, #tpu.memory_space<vmem>>, vector<1x1x16xf32>,
        %swap3A_1125 = vector.shape_cast %swap3A_1124 : vector<1x1x16xf32> to vector<16xf32>
        %swap3A_1126 = vector.shape_cast %mul3A_1120 : vector<16xf32> to vector<1x1x16xf32>
        tpu.vector_store %arg11[%swap3A_1121, %swap3A_1122, %swap3A_1123], %swap3A_1126 {strides = array<i32>} : memref<2x128x128xf32, #tpu.memory_space<vmem>>, vector<1x1x16xf32>,
        %get3A_1127 = arith.index_cast %select_n3A_173 : i32 to index
        %get3A_1128 = arith.index_cast %add3A_1090 : i32 to index
        %get3A_1129 = arith.constant 48 : index
        %get3A_1130 = tpu.vector_load %arg11[%get3A_1127, %get3A_1128, %get3A_1129] {strides = array<i32>} : memref<2x128x128xf32, #tpu.memory_space<vmem>>, vector<1x1x16xf32>,
        %get3A_1131 = vector.shape_cast %get3A_1130 : vector<1x1x16xf32> to vector<16xf32>
        %mul3A_1132 = arith.mulf %get3A_1131, %get3A_1086 : vector<16xf32>
        %swap3A_1133 = arith.index_cast %select_n3A_173 : i32 to index
        %swap3A_1134 = arith.index_cast %add3A_1090 : i32 to index
        %swap3A_1135 = arith.constant 48 : index
        %swap3A_1136 = tpu.vector_load %arg11[%swap3A_1133, %swap3A_1134, %swap3A_1135] {strides = array<i32>} : memref<2x128x128xf32, #tpu.memory_space<vmem>>, vector<1x1x16xf32>,
        %swap3A_1137 = vector.shape_cast %swap3A_1136 : vector<1x1x16xf32> to vector<16xf32>
        %swap3A_1138 = vector.shape_cast %mul3A_1132 : vector<16xf32> to vector<1x1x16xf32>
        tpu.vector_store %arg11[%swap3A_1133, %swap3A_1134, %swap3A_1135], %swap3A_1138 {strides = array<i32>} : memref<2x128x128xf32, #tpu.memory_space<vmem>>, vector<1x1x16xf32>,
        %get3A_1139 = arith.index_cast %select_n3A_173 : i32 to index
        %get3A_1140 = arith.index_cast %add3A_1090 : i32 to index
        %get3A_1141 = arith.constant 64 : index
        %get3A_1142 = tpu.vector_load %arg11[%get3A_1139, %get3A_1140, %get3A_1141] {strides = array<i32>} : memref<2x128x128xf32, #tpu.memory_space<vmem>>, vector<1x1x16xf32>,
        %get3A_1143 = vector.shape_cast %get3A_1142 : vector<1x1x16xf32> to vector<16xf32>
        %mul3A_1144 = arith.mulf %get3A_1143, %get3A_1086 : vector<16xf32>
        %swap3A_1145 = arith.index_cast %select_n3A_173 : i32 to index
        %swap3A_1146 = arith.index_cast %add3A_1090 : i32 to index
        %swap3A_1147 = arith.constant 64 : index
        %swap3A_1148 = tpu.vector_load %arg11[%swap3A_1145, %swap3A_1146, %swap3A_1147] {strides = array<i32>} : memref<2x128x128xf32, #tpu.memory_space<vmem>>, vector<1x1x16xf32>,
        %swap3A_1149 = vector.shape_cast %swap3A_1148 : vector<1x1x16xf32> to vector<16xf32>
        %swap3A_1150 = vector.shape_cast %mul3A_1144 : vector<16xf32> to vector<1x1x16xf32>
        tpu.vector_store %arg11[%swap3A_1145, %swap3A_1146, %swap3A_1147], %swap3A_1150 {strides = array<i32>} : memref<2x128x128xf32, #tpu.memory_space<vmem>>, vector<1x1x16xf32>,
        %get3A_1151 = arith.index_cast %select_n3A_173 : i32 to index
        %get3A_1152 = arith.index_cast %add3A_1090 : i32 to index
        %get3A_1153 = arith.constant 80 : index
        %get3A_1154 = tpu.vector_load %arg11[%get3A_1151, %get3A_1152, %get3A_1153] {strides = array<i32>} : memref<2x128x128xf32, #tpu.memory_space<vmem>>, vector<1x1x16xf32>,
        %get3A_1155 = vector.shape_cast %get3A_1154 : vector<1x1x16xf32> to vector<16xf32>
        %mul3A_1156 = arith.mulf %get3A_1155, %get3A_1086 : vector<16xf32>
        %swap3A_1157 = arith.index_cast %select_n3A_173 : i32 to index
        %swap3A_1158 = arith.index_cast %add3A_1090 : i32 to index
        %swap3A_1159 = arith.constant 80 : index
        %swap3A_1160 = tpu.vector_load %arg11[%swap3A_1157, %swap3A_1158, %swap3A_1159] {strides = array<i32>} : memref<2x128x128xf32, #tpu.memory_space<vmem>>, vector<1x1x16xf32>,
        %swap3A_1161 = vector.shape_cast %swap3A_1160 : vector<1x1x16xf32> to vector<16xf32>
        %swap3A_1162 = vector.shape_cast %mul3A_1156 : vector<16xf32> to vector<1x1x16xf32>
        tpu.vector_store %arg11[%swap3A_1157, %swap3A_1158, %swap3A_1159], %swap3A_1162 {strides = array<i32>} : memref<2x128x128xf32, #tpu.memory_space<vmem>>, vector<1x1x16xf32>,
        %get3A_1163 = arith.index_cast %select_n3A_173 : i32 to index
        %get3A_1164 = arith.index_cast %add3A_1090 : i32 to index
        %get3A_1165 = arith.constant 96 : index
        %get3A_1166 = tpu.vector_load %arg11[%get3A_1163, %get3A_1164, %get3A_1165] {strides = array<i32>} : memref<2x128x128xf32, #tpu.memory_space<vmem>>, vector<1x1x16xf32>,
        %get3A_1167 = vector.shape_cast %get3A_1166 : vector<1x1x16xf32> to vector<16xf32>
        %mul3A_1168 = arith.mulf %get3A_1167, %get3A_1086 : vector<16xf32>
        %swap3A_1169 = arith.index_cast %select_n3A_173 : i32 to index
        %swap3A_1170 = arith.index_cast %add3A_1090 : i32 to index
        %swap3A_1171 = arith.constant 96 : index
        %swap3A_1172 = tpu.vector_load %arg11[%swap3A_1169, %swap3A_1170, %swap3A_1171] {strides = array<i32>} : memref<2x128x128xf32, #tpu.memory_space<vmem>>, vector<1x1x16xf32>,
        %swap3A_1173 = vector.shape_cast %swap3A_1172 : vector<1x1x16xf32> to vector<16xf32>
        %swap3A_1174 = vector.shape_cast %mul3A_1168 : vector<16xf32> to vector<1x1x16xf32>
        tpu.vector_store %arg11[%swap3A_1169, %swap3A_1170, %swap3A_1171], %swap3A_1174 {strides = array<i32>} : memref<2x128x128xf32, #tpu.memory_space<vmem>>, vector<1x1x16xf32>,
        %get3A_1175 = arith.index_cast %select_n3A_173 : i32 to index
        %get3A_1176 = arith.index_cast %add3A_1090 : i32 to index
        %get3A_1177 = arith.constant 112 : index
        %get3A_1178 = tpu.vector_load %arg11[%get3A_1175, %get3A_1176, %get3A_1177] {strides = array<i32>} : memref<2x128x128xf32, #tpu.memory_space<vmem>>, vector<1x1x16xf32>,
        %get3A_1179 = vector.shape_cast %get3A_1178 : vector<1x1x16xf32> to vector<16xf32>
        %mul3A_1180 = arith.mulf %get3A_1179, %get3A_1086 : vector<16xf32>
        %swap3A_1181 = arith.index_cast %select_n3A_173 : i32 to index
        %swap3A_1182 = arith.index_cast %add3A_1090 : i32 to index
        %swap3A_1183 = arith.constant 112 : index
        %swap3A_1184 = tpu.vector_load %arg11[%swap3A_1181, %swap3A_1182, %swap3A_1183] {strides = array<i32>} : memref<2x128x128xf32, #tpu.memory_space<vmem>>, vector<1x1x16xf32>,
        %swap3A_1185 = vector.shape_cast %swap3A_1184 : vector<1x1x16xf32> to vector<16xf32>
        %swap3A_1186 = vector.shape_cast %mul3A_1180 : vector<16xf32> to vector<1x1x16xf32>
        tpu.vector_store %arg11[%swap3A_1181, %swap3A_1182, %swap3A_1183], %swap3A_1186 {strides = array<i32>} : memref<2x128x128xf32, #tpu.memory_space<vmem>>, vector<1x1x16xf32>,
        %jit3A_1187 = arith.constant 3 : i32
        %eq3A_1188 = arith.constant 0 : i32
        %eq3A_1189 = arith.cmpi eq, %jit3A_1187, %eq3A_1188 : i32
        %jit3A_1190 = arith.constant 1 : i32
        %select_n3A_1191 = arith.select %eq3A_1189, %jit3A_1190, %jit3A_1187 : i32
        %rem3A_1192 = arith.remsi %scan3A_163, %select_n3A_1191 : i32
        %ne3A_1193 = arith.constant 0 : i32
        %ne3A_1194 = arith.cmpi ne, %rem3A_1192, %ne3A_1193 : i32
        %lt3A_1195 = arith.constant 0 : i32
        %lt3A_1196 = arith.cmpi slt, %rem3A_1192, %lt3A_1195 : i32
        %lt3A_1197 = arith.constant 0 : i32
        %lt3A_1198 = arith.cmpi slt, %select_n3A_1191, %lt3A_1197 : i32
        %ne3A_1199 = arith.xori %lt3A_1196, %lt3A_1198 : i1
        %and3A_1200 = arith.andi %ne3A_1199, %ne3A_1194 : i1
        %add3A_1201 = arith.addi %rem3A_1192, %select_n3A_1191 : i32
        %select_n3A_1202 = arith.select %and3A_1200, %add3A_1201, %rem3A_1192 : i32
        %add3A_1203 = arith.constant 1 : i32
        %add3A_1204 = arith.addi %add3A_1203, %scan3A_326 : i32
        %get3A_1205 = arith.index_cast %select_n3A_1202 : i32 to index
        %get3A_1206 = arith.index_cast %add3A_1204 : i32 to index
        %get3A_1207 = arith.constant 112 : index
        %get3A_1208 = tpu.vector_load %arg10[%get3A_1205, %get3A_1206, %get3A_1207] {strides = array<i32>} : memref<3x17x128xf32, #tpu.memory_space<vmem>>, vector<1x1x16xf32>,
        %get3A_1209 = vector.shape_cast %get3A_1208 : vector<1x1x16xf32> to vector<16xf32>
        %mul3A_1210 = arith.constant 8 : i32
        %mul3A_1211 = arith.muli %scan3A_326, %mul3A_1210 : i32
        %add3A_1212 = arith.constant 7 : i32
        %add3A_1213 = arith.addi %mul3A_1211, %add3A_1212 : i32
        %get3A_1214 = arith.index_cast %select_n3A_173 : i32 to index
        %get3A_1215 = arith.index_cast %add3A_1213 : i32 to index
        %get3A_1216 = arith.constant 0 : index
        %get3A_1217 = tpu.vector_load %arg11[%get3A_1214, %get3A_1215, %get3A_1216] {strides = array<i32>} : memref<2x128x128xf32, #tpu.memory_space<vmem>>, vector<1x1x16xf32>,
        %get3A_1218 = vector.shape_cast %get3A_1217 : vector<1x1x16xf32> to vector<16xf32>
        %mul3A_1219 = arith.mulf %get3A_1218, %get3A_1209 : vector<16xf32>
        %swap3A_1220 = arith.index_cast %select_n3A_173 : i32 to index
        %swap3A_1221 = arith.index_cast %add3A_1213 : i32 to index
        %swap3A_1222 = arith.constant 0 : index
        %swap3A_1223 = tpu.vector_load %arg11[%swap3A_1220, %swap3A_1221, %swap3A_1222] {strides = array<i32>} : memref<2x128x128xf32, #tpu.memory_space<vmem>>, vector<1x1x16xf32>,
        %swap3A_1224 = vector.shape_cast %swap3A_1223 : vector<1x1x16xf32> to vector<16xf32>
        %swap3A_1225 = vector.shape_cast %mul3A_1219 : vector<16xf32> to vector<1x1x16xf32>
        tpu.vector_store %arg11[%swap3A_1220, %swap3A_1221, %swap3A_1222], %swap3A_1225 {strides = array<i32>} : memref<2x128x128xf32, #tpu.memory_space<vmem>>, vector<1x1x16xf32>,
        %get3A_1226 = arith.index_cast %select_n3A_173 : i32 to index
        %get3A_1227 = arith.index_cast %add3A_1213 : i32 to index
        %get3A_1228 = arith.constant 16 : index
        %get3A_1229 = tpu.vector_load %arg11[%get3A_1226, %get3A_1227, %get3A_1228] {strides = array<i32>} : memref<2x128x128xf32, #tpu.memory_space<vmem>>, vector<1x1x16xf32>,
        %get3A_1230 = vector.shape_cast %get3A_1229 : vector<1x1x16xf32> to vector<16xf32>
        %mul3A_1231 = arith.mulf %get3A_1230, %get3A_1209 : vector<16xf32>
        %swap3A_1232 = arith.index_cast %select_n3A_173 : i32 to index
        %swap3A_1233 = arith.index_cast %add3A_1213 : i32 to index
        %swap3A_1234 = arith.constant 16 : index
        %swap3A_1235 = tpu.vector_load %arg11[%swap3A_1232, %swap3A_1233, %swap3A_1234] {strides = array<i32>} : memref<2x128x128xf32, #tpu.memory_space<vmem>>, vector<1x1x16xf32>,
        %swap3A_1236 = vector.shape_cast %swap3A_1235 : vector<1x1x16xf32> to vector<16xf32>
        %swap3A_1237 = vector.shape_cast %mul3A_1231 : vector<16xf32> to vector<1x1x16xf32>
        tpu.vector_store %arg11[%swap3A_1232, %swap3A_1233, %swap3A_1234], %swap3A_1237 {strides = array<i32>} : memref<2x128x128xf32, #tpu.memory_space<vmem>>, vector<1x1x16xf32>,
        %get3A_1238 = arith.index_cast %select_n3A_173 : i32 to index
        %get3A_1239 = arith.index_cast %add3A_1213 : i32 to index
        %get3A_1240 = arith.constant 32 : index
        %get3A_1241 = tpu.vector_load %arg11[%get3A_1238, %get3A_1239, %get3A_1240] {strides = array<i32>} : memref<2x128x128xf32, #tpu.memory_space<vmem>>, vector<1x1x16xf32>,
        %get3A_1242 = vector.shape_cast %get3A_1241 : vector<1x1x16xf32> to vector<16xf32>
        %mul3A_1243 = arith.mulf %get3A_1242, %get3A_1209 : vector<16xf32>
        %swap3A_1244 = arith.index_cast %select_n3A_173 : i32 to index
        %swap3A_1245 = arith.index_cast %add3A_1213 : i32 to index
        %swap3A_1246 = arith.constant 32 : index
        %swap3A_1247 = tpu.vector_load %arg11[%swap3A_1244, %swap3A_1245, %swap3A_1246] {strides = array<i32>} : memref<2x128x128xf32, #tpu.memory_space<vmem>>, vector<1x1x16xf32>,
        %swap3A_1248 = vector.shape_cast %swap3A_1247 : vector<1x1x16xf32> to vector<16xf32>
        %swap3A_1249 = vector.shape_cast %mul3A_1243 : vector<16xf32> to vector<1x1x16xf32>
        tpu.vector_store %arg11[%swap3A_1244, %swap3A_1245, %swap3A_1246], %swap3A_1249 {strides = array<i32>} : memref<2x128x128xf32, #tpu.memory_space<vmem>>, vector<1x1x16xf32>,
        %get3A_1250 = arith.index_cast %select_n3A_173 : i32 to index
        %get3A_1251 = arith.index_cast %add3A_1213 : i32 to index
        %get3A_1252 = arith.constant 48 : index
        %get3A_1253 = tpu.vector_load %arg11[%get3A_1250, %get3A_1251, %get3A_1252] {strides = array<i32>} : memref<2x128x128xf32, #tpu.memory_space<vmem>>, vector<1x1x16xf32>,
        %get3A_1254 = vector.shape_cast %get3A_1253 : vector<1x1x16xf32> to vector<16xf32>
        %mul3A_1255 = arith.mulf %get3A_1254, %get3A_1209 : vector<16xf32>
        %swap3A_1256 = arith.index_cast %select_n3A_173 : i32 to index
        %swap3A_1257 = arith.index_cast %add3A_1213 : i32 to index
        %swap3A_1258 = arith.constant 48 : index
        %swap3A_1259 = tpu.vector_load %arg11[%swap3A_1256, %swap3A_1257, %swap3A_1258] {strides = array<i32>} : memref<2x128x128xf32, #tpu.memory_space<vmem>>, vector<1x1x16xf32>,
        %swap3A_1260 = vector.shape_cast %swap3A_1259 : vector<1x1x16xf32> to vector<16xf32>
        %swap3A_1261 = vector.shape_cast %mul3A_1255 : vector<16xf32> to vector<1x1x16xf32>
        tpu.vector_store %arg11[%swap3A_1256, %swap3A_1257, %swap3A_1258], %swap3A_1261 {strides = array<i32>} : memref<2x128x128xf32, #tpu.memory_space<vmem>>, vector<1x1x16xf32>,
        %get3A_1262 = arith.index_cast %select_n3A_173 : i32 to index
        %get3A_1263 = arith.index_cast %add3A_1213 : i32 to index
        %get3A_1264 = arith.constant 64 : index
        %get3A_1265 = tpu.vector_load %arg11[%get3A_1262, %get3A_1263, %get3A_1264] {strides = array<i32>} : memref<2x128x128xf32, #tpu.memory_space<vmem>>, vector<1x1x16xf32>,
        %get3A_1266 = vector.shape_cast %get3A_1265 : vector<1x1x16xf32> to vector<16xf32>
        %mul3A_1267 = arith.mulf %get3A_1266, %get3A_1209 : vector<16xf32>
        %swap3A_1268 = arith.index_cast %select_n3A_173 : i32 to index
        %swap3A_1269 = arith.index_cast %add3A_1213 : i32 to index
        %swap3A_1270 = arith.constant 64 : index
        %swap3A_1271 = tpu.vector_load %arg11[%swap3A_1268, %swap3A_1269, %swap3A_1270] {strides = array<i32>} : memref<2x128x128xf32, #tpu.memory_space<vmem>>, vector<1x1x16xf32>,
        %swap3A_1272 = vector.shape_cast %swap3A_1271 : vector<1x1x16xf32> to vector<16xf32>
        %swap3A_1273 = vector.shape_cast %mul3A_1267 : vector<16xf32> to vector<1x1x16xf32>
        tpu.vector_store %arg11[%swap3A_1268, %swap3A_1269, %swap3A_1270], %swap3A_1273 {strides = array<i32>} : memref<2x128x128xf32, #tpu.memory_space<vmem>>, vector<1x1x16xf32>,
        %get3A_1274 = arith.index_cast %select_n3A_173 : i32 to index
        %get3A_1275 = arith.index_cast %add3A_1213 : i32 to index
        %get3A_1276 = arith.constant 80 : index
        %get3A_1277 = tpu.vector_load %arg11[%get3A_1274, %get3A_1275, %get3A_1276] {strides = array<i32>} : memref<2x128x128xf32, #tpu.memory_space<vmem>>, vector<1x1x16xf32>,
        %get3A_1278 = vector.shape_cast %get3A_1277 : vector<1x1x16xf32> to vector<16xf32>
        %mul3A_1279 = arith.mulf %get3A_1278, %get3A_1209 : vector<16xf32>
        %swap3A_1280 = arith.index_cast %select_n3A_173 : i32 to index
        %swap3A_1281 = arith.index_cast %add3A_1213 : i32 to index
        %swap3A_1282 = arith.constant 80 : index
        %swap3A_1283 = tpu.vector_load %arg11[%swap3A_1280, %swap3A_1281, %swap3A_1282] {strides = array<i32>} : memref<2x128x128xf32, #tpu.memory_space<vmem>>, vector<1x1x16xf32>,
        %swap3A_1284 = vector.shape_cast %swap3A_1283 : vector<1x1x16xf32> to vector<16xf32>
        %swap3A_1285 = vector.shape_cast %mul3A_1279 : vector<16xf32> to vector<1x1x16xf32>
        tpu.vector_store %arg11[%swap3A_1280, %swap3A_1281, %swap3A_1282], %swap3A_1285 {strides = array<i32>} : memref<2x128x128xf32, #tpu.memory_space<vmem>>, vector<1x1x16xf32>,
        %get3A_1286 = arith.index_cast %select_n3A_173 : i32 to index
        %get3A_1287 = arith.index_cast %add3A_1213 : i32 to index
        %get3A_1288 = arith.constant 96 : index
        %get3A_1289 = tpu.vector_load %arg11[%get3A_1286, %get3A_1287, %get3A_1288] {strides = array<i32>} : memref<2x128x128xf32, #tpu.memory_space<vmem>>, vector<1x1x16xf32>,
        %get3A_1290 = vector.shape_cast %get3A_1289 : vector<1x1x16xf32> to vector<16xf32>
        %mul3A_1291 = arith.mulf %get3A_1290, %get3A_1209 : vector<16xf32>
        %swap3A_1292 = arith.index_cast %select_n3A_173 : i32 to index
        %swap3A_1293 = arith.index_cast %add3A_1213 : i32 to index
        %swap3A_1294 = arith.constant 96 : index
        %swap3A_1295 = tpu.vector_load %arg11[%swap3A_1292, %swap3A_1293, %swap3A_1294] {strides = array<i32>} : memref<2x128x128xf32, #tpu.memory_space<vmem>>, vector<1x1x16xf32>,
        %swap3A_1296 = vector.shape_cast %swap3A_1295 : vector<1x1x16xf32> to vector<16xf32>
        %swap3A_1297 = vector.shape_cast %mul3A_1291 : vector<16xf32> to vector<1x1x16xf32>
        tpu.vector_store %arg11[%swap3A_1292, %swap3A_1293, %swap3A_1294], %swap3A_1297 {strides = array<i32>} : memref<2x128x128xf32, #tpu.memory_space<vmem>>, vector<1x1x16xf32>,
        %get3A_1298 = arith.index_cast %select_n3A_173 : i32 to index
        %get3A_1299 = arith.index_cast %add3A_1213 : i32 to index
        %get3A_1300 = arith.constant 112 : index
        %get3A_1301 = tpu.vector_load %arg11[%get3A_1298, %get3A_1299, %get3A_1300] {strides = array<i32>} : memref<2x128x128xf32, #tpu.memory_space<vmem>>, vector<1x1x16xf32>,
        %get3A_1302 = vector.shape_cast %get3A_1301 : vector<1x1x16xf32> to vector<16xf32>
        %mul3A_1303 = arith.mulf %get3A_1302, %get3A_1209 : vector<16xf32>
        %swap3A_1304 = arith.index_cast %select_n3A_173 : i32 to index
        %swap3A_1305 = arith.index_cast %add3A_1213 : i32 to index
        %swap3A_1306 = arith.constant 112 : index
        %swap3A_1307 = tpu.vector_load %arg11[%swap3A_1304, %swap3A_1305, %swap3A_1306] {strides = array<i32>} : memref<2x128x128xf32, #tpu.memory_space<vmem>>, vector<1x1x16xf32>,
        %swap3A_1308 = vector.shape_cast %swap3A_1307 : vector<1x1x16xf32> to vector<16xf32>
        %swap3A_1309 = vector.shape_cast %mul3A_1303 : vector<16xf32> to vector<1x1x16xf32>
        tpu.vector_store %arg11[%swap3A_1304, %swap3A_1305, %swap3A_1306], %swap3A_1309 {strides = array<i32>} : memref<2x128x128xf32, #tpu.memory_space<vmem>>, vector<1x1x16xf32>,
        %scan3A_1310 = arith.constant 0 : i32
        scf.yield %scan3A_1310 : i32
      }
      %scan3A_239 = arith.constant 16 : i32
      %jit3A_240 = arith.constant 3 : i32
      %eq3A_241 = arith.constant 0 : i32
      %eq3A_242 = arith.cmpi eq, %jit3A_240, %eq3A_241 : i32
      %jit3A_243 = arith.constant 1 : i32
      %select_n3A_244 = arith.select %eq3A_242, %jit3A_243, %jit3A_240 : i32
      %rem3A_245 = arith.remsi %scan3A_163, %select_n3A_244 : i32
      %ne3A_246 = arith.constant 0 : i32
      %ne3A_247 = arith.cmpi ne, %rem3A_245, %ne3A_246 : i32
      %lt3A_248 = arith.constant 0 : i32
      %lt3A_249 = arith.cmpi slt, %rem3A_245, %lt3A_248 : i32
      %lt3A_250 = arith.constant 0 : i32
      %lt3A_251 = arith.cmpi slt, %select_n3A_244, %lt3A_250 : i32
      %ne3A_252 = arith.xori %lt3A_249, %lt3A_251 : i1
      %and3A_253 = arith.andi %ne3A_252, %ne3A_247 : i1
      %add3A_254 = arith.addi %rem3A_245, %select_n3A_244 : i32
      %select_n3A_255 = arith.select %and3A_253, %add3A_254, %rem3A_245 : i32
      %jit3A_256 = arith.constant 3 : i32
      %eq3A_257 = arith.constant 0 : i32
      %eq3A_258 = arith.cmpi eq, %jit3A_256, %eq3A_257 : i32
      %jit3A_259 = arith.constant 1 : i32
      %select_n3A_260 = arith.select %eq3A_258, %jit3A_259, %jit3A_256 : i32
      %rem3A_261 = arith.remsi %scan3A_163, %select_n3A_260 : i32
      %ne3A_262 = arith.constant 0 : i32
      %ne3A_263 = arith.cmpi ne, %rem3A_261, %ne3A_262 : i32
      %lt3A_264 = arith.constant 0 : i32
      %lt3A_265 = arith.cmpi slt, %rem3A_261, %lt3A_264 : i32
      %lt3A_266 = arith.constant 0 : i32
      %lt3A_267 = arith.cmpi slt, %select_n3A_260, %lt3A_266 : i32
      %ne3A_268 = arith.xori %lt3A_265, %lt3A_267 : i1
      %and3A_269 = arith.andi %ne3A_268, %ne3A_263 : i1
      %add3A_270 = arith.addi %rem3A_261, %select_n3A_260 : i32
      %select_n3A_271 = arith.select %and3A_269, %add3A_270, %rem3A_261 : i32
      %dma_start3A_272 = arith.constant 0 : i32
      %dma_start3A_273 = arith.constant 1 : i32
      %dma_start3A_274 = arith.constant 0 : i32
      %dma_start3A_275 = tpu.memref_slice %arg10[%select_n3A_255, %dma_start3A_272, %dma_start3A_274] : memref<3x17x128xf32, #tpu.memory_space<vmem>> -> memref<1x1x128xf32, #tpu.memory_space<vmem>>
      %dma_start3A_276 = tpu.memref_squeeze %dma_start3A_275 : memref<1x1x128xf32, #tpu.memory_space<vmem>> -> memref<128xf32, #tpu.memory_space<vmem>>
      %dma_start3A_277 = arith.constant 0 : i32
      %dma_start3A_278 = tpu.memref_slice %arg9[%select_n3A_271, %dma_start3A_273, %dma_start3A_277] : memref<3x2x128xi32, #tpu.memory_space<vmem>> -> memref<1x1x128xi32, #tpu.memory_space<vmem>>
      %dma_start3A_279 = tpu.memref_squeeze %dma_start3A_278 : memref<1x1x128xi32, #tpu.memory_space<vmem>> -> memref<128xi32, #tpu.memory_space<vmem>>
      %dma_start3A_280 = arith.constant 0 : i32
      %dma_start3A_281 = tpu.memref_slice %arg13[%dma_start3A_280] : memref<10240xf32, #tpu.memory_space<vmem_shared>> -> memref<10240xf32, #tpu.memory_space<vmem_shared>>
      tpu.enqueue_indirect_dma source(%dma_start3A_276 : memref<128xf32, #tpu.memory_space<vmem>>) target(%dma_start3A_281 : memref<10240xf32, #tpu.memory_space<vmem_shared>>) offsets(%dma_start3A_279 : memref<128xi32, #tpu.memory_space<vmem>>) semaphore(%arg17 : memref<!tpu.dma_semaphore, #tpu.memory_space<semaphore_mem>>) {add = true}
      %jit3A_282 = arith.constant 2 : i32
      %eq3A_283 = arith.constant 0 : i32
      %eq3A_284 = arith.cmpi eq, %jit3A_282, %eq3A_283 : i32
      %jit3A_285 = arith.constant 1 : i32
      %select_n3A_286 = arith.select %eq3A_284, %jit3A_285, %jit3A_282 : i32
      %rem3A_287 = arith.remsi %scan3A_163, %select_n3A_286 : i32
      %ne3A_288 = arith.constant 0 : i32
      %ne3A_289 = arith.cmpi ne, %rem3A_287, %ne3A_288 : i32
      %lt3A_290 = arith.constant 0 : i32
      %lt3A_291 = arith.cmpi slt, %rem3A_287, %lt3A_290 : i32
      %lt3A_292 = arith.constant 0 : i32
      %lt3A_293 = arith.cmpi slt, %select_n3A_286, %lt3A_292 : i32
      %ne3A_294 = arith.xori %lt3A_291, %lt3A_293 : i1
      %and3A_295 = arith.andi %ne3A_294, %ne3A_289 : i1
      %add3A_296 = arith.addi %rem3A_287, %select_n3A_286 : i32
      %select_n3A_297 = arith.select %and3A_295, %add3A_296, %rem3A_287 : i32
      %jit3A_298 = arith.constant 3 : i32
      %eq3A_299 = arith.constant 0 : i32
      %eq3A_300 = arith.cmpi eq, %jit3A_298, %eq3A_299 : i32
      %jit3A_301 = arith.constant 1 : i32
      %select_n3A_302 = arith.select %eq3A_300, %jit3A_301, %jit3A_298 : i32
      %rem3A_303 = arith.remsi %scan3A_163, %select_n3A_302 : i32
      %ne3A_304 = arith.constant 0 : i32
      %ne3A_305 = arith.cmpi ne, %rem3A_303, %ne3A_304 : i32
      %lt3A_306 = arith.constant 0 : i32
      %lt3A_307 = arith.cmpi slt, %rem3A_303, %lt3A_306 : i32
      %lt3A_308 = arith.constant 0 : i32
      %lt3A_309 = arith.cmpi slt, %select_n3A_302, %lt3A_308 : i32
      %ne3A_310 = arith.xori %lt3A_307, %lt3A_309 : i1
      %and3A_311 = arith.andi %ne3A_310, %ne3A_305 : i1
      %add3A_312 = arith.addi %rem3A_303, %select_n3A_302 : i32
      %select_n3A_313 = arith.select %and3A_311, %add3A_312, %rem3A_303 : i32
      %dma_start3A_314 = arith.constant 1 : i32
      %dma_start3A_315 = arith.constant 0 : i32
      %dma_start3A_316 = arith.constant 0 : i32
      %dma_start3A_317 = tpu.memref_slice %arg11[%select_n3A_297, %dma_start3A_315, %dma_start3A_316] : memref<2x128x128xf32, #tpu.memory_space<vmem>> -> memref<1x128x128xf32, #tpu.memory_space<vmem>>
      %dma_start3A_318 = tpu.memref_squeeze %dma_start3A_317 : memref<1x128x128xf32, #tpu.memory_space<vmem>> -> memref<128x128xf32, #tpu.memory_space<vmem>>
      %dma_start3A_319 = arith.constant 0 : i32
      %dma_start3A_320 = tpu.memref_slice %arg9[%select_n3A_313, %dma_start3A_314, %dma_start3A_319] : memref<3x2x128xi32, #tpu.memory_space<vmem>> -> memref<1x1x128xi32, #tpu.memory_space<vmem>>
      %dma_start3A_321 = tpu.memref_squeeze %dma_start3A_320 : memref<1x1x128xi32, #tpu.memory_space<vmem>> -> memref<128xi32, #tpu.memory_space<vmem>>
      %dma_start3A_322 = arith.constant 0 : i32
      %dma_start3A_323 = arith.constant 0 : i32
      %dma_start3A_324 = tpu.memref_slice %arg12[%dma_start3A_322, %dma_start3A_323] : memref<10240x128xf32, #tpu.memory_space<vmem_shared>> -> memref<10240x128xf32, #tpu.memory_space<vmem_shared>>
      tpu.enqueue_indirect_dma source(%dma_start3A_318 : memref<128x128xf32, #tpu.memory_space<vmem>>) target(%dma_start3A_324 : memref<10240x128xf32, #tpu.memory_space<vmem_shared>>) offsets(%dma_start3A_321 : memref<128xi32, #tpu.memory_space<vmem>>) semaphore(%arg16 : memref<!tpu.dma_semaphore, #tpu.memory_space<semaphore_mem>>) {add = true}
      %scan3A_325 = arith.constant 0 : i32
      scf.yield %scan3A_325 : i32
    }
    %scan3A_129 = arith.constant 79 : i32
    %dma_wait3A_130 = arith.constant 0 : i32
    %dma_wait3A_131 = arith.constant 0 : i32
    %dma_wait3A_132 = arith.constant 0 : i32
    %dma_wait3A_133 = arith.constant 1 : i32
    %dma_wait3A_134 = arith.constant 0 : i32
    %dma_wait3A_135 = tpu.memref_slice %arg10[%dma_wait3A_130, %dma_wait3A_131, %dma_wait3A_134] : memref<3x17x128xf32, #tpu.memory_space<vmem>> -> memref<1x1x128xf32, #tpu.memory_space<vmem>>
    %dma_wait3A_136 = tpu.memref_squeeze %dma_wait3A_135 : memref<1x1x128xf32, #tpu.memory_space<vmem>> -> memref<128xf32, #tpu.memory_space<vmem>>
    %dma_wait3A_137 = arith.constant 0 : i32
    %dma_wait3A_138 = tpu.memref_slice %arg9[%dma_wait3A_132, %dma_wait3A_133, %dma_wait3A_137] : memref<3x2x128xi32, #tpu.memory_space<vmem>> -> memref<1x1x128xi32, #tpu.memory_space<vmem>>
    %dma_wait3A_139 = tpu.memref_squeeze %dma_wait3A_138 : memref<1x1x128xi32, #tpu.memory_space<vmem>> -> memref<128xi32, #tpu.memory_space<vmem>>
    %dma_wait3A_140 = arith.constant 0 : i32
    %dma_wait3A_141 = tpu.memref_slice %arg13[%dma_wait3A_140] : memref<10240xf32, #tpu.memory_space<vmem_shared>> -> memref<10240xf32, #tpu.memory_space<vmem_shared>>
    tpu.wait_indirect_dma semaphore(%arg17 : memref<!tpu.dma_semaphore, #tpu.memory_space<semaphore_mem>>) src(%dma_wait3A_136 : memref<128xf32, #tpu.memory_space<vmem>>) dst(%dma_wait3A_141 : memref<10240xf32, #tpu.memory_space<vmem_shared>>)
    %dma_wait3A_142 = arith.constant 0 : i32
    %dma_wait3A_143 = arith.constant 0 : i32
    %dma_wait3A_144 = arith.constant 1 : i32
    %dma_wait3A_145 = arith.constant 0 : i32
    %dma_wait3A_146 = arith.constant 0 : i32
    %dma_wait3A_147 = tpu.memref_slice %arg11[%dma_wait3A_142, %dma_wait3A_145, %dma_wait3A_146] : memref<2x128x128xf32, #tpu.memory_space<vmem>> -> memref<1x128x128xf32, #tpu.memory_space<vmem>>
    %dma_wait3A_148 = tpu.memref_squeeze %dma_wait3A_147 : memref<1x128x128xf32, #tpu.memory_space<vmem>> -> memref<128x128xf32, #tpu.memory_space<vmem>>
    %dma_wait3A_149 = arith.constant 0 : i32
    %dma_wait3A_150 = tpu.memref_slice %arg9[%dma_wait3A_143, %dma_wait3A_144, %dma_wait3A_149] : memref<3x2x128xi32, #tpu.memory_space<vmem>> -> memref<1x1x128xi32, #tpu.memory_space<vmem>>
    %dma_wait3A_151 = tpu.memref_squeeze %dma_wait3A_150 : memref<1x1x128xi32, #tpu.memory_space<vmem>> -> memref<128xi32, #tpu.memory_space<vmem>>
    %dma_wait3A_152 = arith.constant 0 : i32
    %dma_wait3A_153 = arith.constant 0 : i32
    %dma_wait3A_154 = tpu.memref_slice %arg12[%dma_wait3A_152, %dma_wait3A_153] : memref<10240x128xf32, #tpu.memory_space<vmem_shared>> -> memref<10240x128xf32, #tpu.memory_space<vmem_shared>>
    tpu.wait_indirect_dma semaphore(%arg16 : memref<!tpu.dma_semaphore, #tpu.memory_space<semaphore_mem>>) src(%dma_wait3A_148 : memref<128x128xf32, #tpu.memory_space<vmem>>) dst(%dma_wait3A_154 : memref<10240x128xf32, #tpu.memory_space<vmem_shared>>)
    %barrier3A_155 = arith.constant 0 : index
    tpu.barrier barrier_id(%barrier3A_155)
    %mul3A_156 = arith.constant 640 : i32
    %mul3A_157 = arith.muli %arg1, %mul3A_156 : i32
    "tpu.region"() ({
      %run_scoped3A = tpu.sem_alloc : memref<!tpu.dma_semaphore, #tpu.memory_space<semaphore_mem>>
      %dma_start3A_163 = arith.constant 0 : i32
      %dma_start3A_164 = tpu.memref_slice %arg7[%arg0, %mul3A_157, %dma_start3A_163] : memref<2x10240x128xf32, #tpu.memory_space<hbm>> -> memref<1x640x128xf32, #tpu.memory_space<hbm>>
      %dma_start3A_165 = tpu.memref_squeeze %dma_start3A_164 : memref<1x640x128xf32, #tpu.memory_space<hbm>> -> memref<640x128xf32, #tpu.memory_space<hbm>>
      %dma_start3A_166 = arith.constant 0 : i32
      %dma_start3A_167 = tpu.memref_slice %arg12[%mul3A_157, %dma_start3A_166] : memref<10240x128xf32, #tpu.memory_space<vmem_shared>> -> memref<640x128xf32, #tpu.memory_space<vmem_shared>>
      tpu.enqueue_dma source(%dma_start3A_167 : memref<640x128xf32, #tpu.memory_space<vmem_shared>>) target(%dma_start3A_165 : memref<640x128xf32, #tpu.memory_space<hbm>>) target_semaphore(%run_scoped3A : memref<!tpu.dma_semaphore, #tpu.memory_space<semaphore_mem>>)
      %dma_wait3A_168 = arith.constant 0 : i32
      %dma_wait3A_169 = tpu.memref_slice %arg7[%arg0, %mul3A_157, %dma_wait3A_168] : memref<2x10240x128xf32, #tpu.memory_space<hbm>> -> memref<1x640x128xf32, #tpu.memory_space<hbm>>
      %dma_wait3A_170 = tpu.memref_squeeze %dma_wait3A_169 : memref<1x640x128xf32, #tpu.memory_space<hbm>> -> memref<640x128xf32, #tpu.memory_space<hbm>>
      %dma_wait3A_171 = arith.constant 0 : i32
      %dma_wait3A_172 = tpu.memref_slice %arg12[%mul3A_157, %dma_wait3A_171] : memref<10240x128xf32, #tpu.memory_space<vmem_shared>> -> memref<640x128xf32, #tpu.memory_space<vmem_shared>>
      tpu.wait_dma2 semaphore(%run_scoped3A : memref<!tpu.dma_semaphore, #tpu.memory_space<semaphore_mem>>) src(%dma_wait3A_172 : memref<640x128xf32, #tpu.memory_space<vmem_shared>>) dst(%dma_wait3A_170 : memref<640x128xf32, #tpu.memory_space<hbm>>)
      tpu.yield
    }) : () -> ()
    %mul3A_158 = arith.constant 10240 : i32
    %mul3A_159 = arith.muli %arg0, %mul3A_158 : i32
    %mul3A_160 = arith.constant 640 : i32
    %mul3A_161 = arith.muli %arg1, %mul3A_160 : i32
    %add3A_162 = arith.addi %mul3A_159, %mul3A_161 : i32
    "tpu.region"() ({
      %run_scoped3A = tpu.sem_alloc : memref<!tpu.dma_semaphore, #tpu.memory_space<semaphore_mem>>
      %dma_start3A_163 = tpu.memref_slice %arg8[%add3A_162] : memref<20480xf32, #tpu.memory_space<hbm>> -> memref<640xf32, #tpu.memory_space<hbm>>
      %dma_start3A_164 = tpu.memref_slice %arg13[%mul3A_157] : memref<10240xf32, #tpu.memory_space<vmem_shared>> -> memref<640xf32, #tpu.memory_space<vmem_shared>>
      tpu.enqueue_dma source(%dma_start3A_164 : memref<640xf32, #tpu.memory_space<vmem_shared>>) target(%dma_start3A_163 : memref<640xf32, #tpu.memory_space<hbm>>) target_semaphore(%run_scoped3A : memref<!tpu.dma_semaphore, #tpu.memory_space<semaphore_mem>>)
      %dma_wait3A_165 = tpu.memref_slice %arg8[%add3A_162] : memref<20480xf32, #tpu.memory_space<hbm>> -> memref<640xf32, #tpu.memory_space<hbm>>
      %dma_wait3A_166 = tpu.memref_slice %arg13[%mul3A_157] : memref<10240xf32, #tpu.memory_space<vmem_shared>> -> memref<640xf32, #tpu.memory_space<vmem_shared>>
      tpu.wait_dma2 semaphore(%run_scoped3A : memref<!tpu.dma_semaphore, #tpu.memory_space<semaphore_mem>>) src(%dma_wait3A_166 : memref<640xf32, #tpu.memory_space<vmem_shared>>) dst(%dma_wait3A_165 : memref<640xf32, #tpu.memory_space<hbm>>)
      tpu.yield
    }) : () -> ()
    return
  }
}

module attributes {stable_mosaic.version = 14 : i64} {
  func.func @_combine_kernel(%arg0: i32, %arg1: memref<2x80x128xf32, #tpu.memory_space<vmem>>, %arg2: memref<80x2xf32, #tpu.memory_space<vmem>>, %arg3: memref<80x128xf32, #tpu.memory_space<vmem>>, %arg4: memref<80x128xf32, #tpu.memory_space<vmem>>) attributes {dimension_semantics = [#tpu.dimension_semantics<arbitrary>], iteration_bounds = array<i64: 125>, scalar_prefetch = 0 : i64, scratch_operands = 0 : i64, tpu.core_type = #tpu.core_type<tc>, window_params = [{transform_indices = @transform_0, window_bounds = array<i64: 2, 80, 128>}, {transform_indices = @transform_1, window_bounds = array<i64: 80, 2>}, {transform_indices = @transform_2, window_bounds = array<i64: 80, 128>}, {transform_indices = @transform_3, window_bounds = array<i64: 80, 128>}]} {
    %get3A = arith.constant 0 : index
    %get3A_0 = arith.constant 0 : index
    %get3A_1 = vector.load %arg2[%get3A, %get3A_0] : memref<80x2xf32, #tpu.memory_space<vmem>>, vector<80x1xf32>
    %get3A_2 = vector.shape_cast %get3A_1 : vector<80x1xf32> to vector<80xf32>
    %get3A_3 = arith.constant 0 : index
    %get3A_4 = arith.constant 1 : index
    %get3A_5 = vector.load %arg2[%get3A_3, %get3A_4] : memref<80x2xf32, #tpu.memory_space<vmem>>, vector<80x1xf32>
    %get3A_6 = vector.shape_cast %get3A_5 : vector<80x1xf32> to vector<80xf32>
    %add3A = arith.addf %get3A_2, %get3A_6 : vector<80xf32>
    %get3A_7 = arith.constant 0 : index
    %get3A_8 = arith.constant 0 : index
    %get3A_9 = arith.constant 0 : index
    %get3A_10 = vector.load %arg1[%get3A_7, %get3A_8, %get3A_9] : memref<2x80x128xf32, #tpu.memory_space<vmem>>, vector<1x80x128xf32>
    %get3A_11 = vector.shape_cast %get3A_10 : vector<1x80x128xf32> to vector<80x128xf32>
    %get3A_12 = arith.constant 1 : index
    %get3A_13 = arith.constant 0 : index
    %get3A_14 = arith.constant 0 : index
    %get3A_15 = vector.load %arg1[%get3A_12, %get3A_13, %get3A_14] : memref<2x80x128xf32, #tpu.memory_space<vmem>>, vector<1x80x128xf32>
    %get3A_16 = vector.shape_cast %get3A_15 : vector<1x80x128xf32> to vector<80x128xf32>
    %add3A_17 = arith.addf %get3A_11, %get3A_16 : vector<80x128xf32>
    %add3A_18 = arith.constant 1.000000e+00 : f32
    %add3A_19 = vector.broadcast %add3A_18 : f32 to vector<80xf32>
    %add3A_20 = arith.addf %add3A_19, %add3A : vector<80xf32>
    %broadcast_in_dim3A = vector.shape_cast %add3A_20 : vector<80xf32> to vector<80x1xf32>
    %get3A_21 = arith.constant 0 : index
    %get3A_22 = arith.constant 0 : index
    %get3A_23 = vector.load %arg3[%get3A_21, %get3A_22] : memref<80x128xf32, #tpu.memory_space<vmem>>, vector<80x128xf32>
    %mul3A = vector.broadcast %broadcast_in_dim3A : vector<80x1xf32> to vector<80x128xf32>
    %mul3A_24 = arith.mulf %mul3A, %get3A_23 : vector<80x128xf32>
    %sub3A = arith.subf %add3A_17, %mul3A_24 : vector<80x128xf32>
    %swap3A = arith.constant 0 : index
    %swap3A_25 = arith.constant 0 : index
    %swap3A_26 = vector.load %arg4[%swap3A, %swap3A_25] : memref<80x128xf32, #tpu.memory_space<vmem>>, vector<80x128xf32>
    tpu.vector_store %arg4[%swap3A, %swap3A_25], %sub3A {strides = array<i32>} : memref<80x128xf32, #tpu.memory_space<vmem>>, vector<80x128xf32>,
    return
  }
  func.func @transform_0(%arg0: i32) -> (i32, i32, i32) {
    %c0_i32 = arith.constant 0 : i32
    %c0_i32_0 = arith.constant 0 : i32
    %c0_i32_1 = arith.constant 0 : i32
    return %c0_i32, %arg0, %c0_i32_0 : i32, i32, i32
  }
  func.func @transform_1(%arg0: i32) -> (i32, i32) {
    %c0_i32 = arith.constant 0 : i32
    %c0_i32_0 = arith.constant 0 : i32
    return %arg0, %c0_i32 : i32, i32
  }
  func.func @transform_2(%arg0: i32) -> (i32, i32) {
    %c0_i32 = arith.constant 0 : i32
    %c0_i32_0 = arith.constant 0 : i32
    return %arg0, %c0_i32 : i32, i32
  }
  func.func @transform_3(%arg0: i32) -> (i32, i32) {
    %c0_i32 = arith.constant 0 : i32
    %c0_i32_0 = arith.constant 0 : i32
    return %arg0, %c0_i32 : i32, i32
  }
}

</mosaic_0001>

<sc_bundles>
// kernel: kernel.4.cloned.1.call-start
scs
__scs_entry_jumppad:
0x0: {  	(pc) =	sbr.rel $0x88, $3  }
0x1: {  	(tag) =	ssettag $0x0;
	lr =	simm.s32 $0x1  }
0x2: {  	[smem:$0x3F9E] =	sst lr;
	_ =	strace $0xD0000000  }
0x3: {  	_ = 	snop  }
0x4: {  	_ = 	snop  }
0x5: {  	_ = 	snop  }
0x6: {  	_ = 	snop  }
0x7: {  	_ = 	snop  }
__scs_overlays_trampoline_lowered:
0x8: {  	[smem:$0x3FAD] =	sst s0  }
0x9: {  	[smem:$0x3FAE] =	sst s1  }
0xa: {  	[smem:$0x3FAF] =	sst s2  }
0xb: {  	[smem:$0x3FB0] =	sst s3  }
0xc: {  	[smem:$0x3FB1] =	sst s4  }
0xd: {  	[smem:$0x3FB2] =	sst s5  }
0xe: {  	[smem:$0x3FB3] =	sst s6  }
0xf: {  	[smem:$0x3FB4] =	sst s7  }
0x10: {  	[smem:$0x3FB5] =	sst s8  }
0x11: {  	[smem:$0x3FB6] =	sst s9;
	s0 =	simm.s32 @!p0 $0x0  }
0x12: {  	s1 =	sld [smem:$0x3F9C];
	s0 =	simm.s32 @p0 $0x1  }
0x13: {  	[smem:$0x3FB7] =	sst s0;
	s0 =	simm.s32 @!p1 $0x0  }
0x14: {  	s2 =	sld [smem:$0x3F9B];
	s0 =	simm.s32 @p1 $0x1  }
0x15: {  	[smem:$0x3FB8] =	sst s0;
	s0 =	simm.s32 @!p2 $0x0  }
0x16: {  	s3 =	sld [smem:$0x3FDB];
	s0 =	simm.s32 @p2 $0x1  }
0x17: {  	s4 =	simm.s32 $0x1BF5;
	[smem:$0x3FBA] =	sst s0  }
0x18: {  	s0 =	sld [smem:$0x3F9D];
	_ =	swait.ge [sflag:s4], $0x0  }
0x19: {  	s7 =	sld [smem:$0x3F9E]  }
0x1a: {  	s8 =	sadd.s32 $0xFFFFE003, lr  }
0x1b: {  	s9 =	sadd.s32 $0xFFFFFEF7, lr;
	s5 =	simm.s32 $0xFFFFFFFF;
	p2 =	slt.u32 s8, $0xFFFFF086  }
0x1c: {  	p1 =	slt.u32 s9, $0xF7A;
	s5 =	simm.s32 @!p2 $0x0  }
0x1d: {  	s5 =	simm.s32 @p1 $0x1;
	p0 =	seq.s32 s7, s2  }
0x1e: {  	s7 =	smul.u32 @!p0 $0xF7A, s2;
	p2 =	seq.s32 @!p0 s5, $0x0  }
0x1f: {  	s9 =	smul.u32 $0xF7A, s1;
	s8 =	simm.s32 @!p0 $0x1BF5;
	p2 =	por !p2, p0  }
0x20: {  	[sflag:s8] =	ssyncset.s32 @!p0 $0xFFFFF086;
	s6 =	sadd.s32 @!p0 s3, s7;
	s7 =	simm.s32 @!p0 $0x108  }
0x21: {  	s3 =	sadd.s32 s3, s9;
	s6 =	sadd.s32 @!p0 $0x88, s6;
	s7 =	simm.s32 @p2 $0x1082  }
0x22: {  	[simem:s7], [sflag:s8] =	dma.local @!p0 [hbm:s6], $0xF7A  }
0x23: {  	s9 =	sor.u32 $0xD0000000, s2;
	s6 =	simm.s32 $0x108;
	_ =	swait.ge @!p0 [sflag:s8], $0x0  }
0x24: {  	s3 =	sadd.s32 $0x88, s3;
	s6 =	simm.s32 @!p1 $0x1082;
	[sflag:s4] =	ssyncset.s32 $0xFFFFF086  }
0x25: {  	[simem:s6], [sflag:s4] =	dma.local [hbm:s3], $0xF7A  }
0x26: {  	[smem:$0x3F9E] =	sst s1;
	(tag) =	ssettag s2;
	_ =	strace s9  }
0x27: {  	s1 =	sld [smem:$0x3FAE]  }
0x28: {  	s2 =	sld [smem:$0x3FAF]  }
0x29: {  	s4 =	sld [smem:$0x3FB1]  }
0x2a: {  	p0 =	seq.s32 s5, $0x0;
	s5 =	sld [smem:$0x3FB2]  }
0x2b: {  	s6 =	sld [smem:$0x3FB3]  }
0x2c: {  	s7 =	sld [smem:$0x3FB4]  }
0x2d: {  	s3 =	simm.s32 $0x108;
	s8 =	sld [smem:$0x3FB5]  }
0x2e: {  	s3 =	simm.s32 @!p0 $0x1082;
	s9 =	sld [smem:$0x3FB6]  }
0x2f: {  	lr =	sadd.s32 s0, s3;
	s0 =	sld [smem:$0x3FAD]  }
0x30: {  	s3 =	sld [smem:$0x3FB0]  }
0x31: {  	[smem:$0x3FB9] =	sst s10  }
0x32: {  	s10 =	sld [smem:$0x3FB7];
	_ =	sdelay $0x3  }
0x33: {  	p0 =	seq.s32 s10, $0x1;
	s10 =	sld [smem:$0x3FB9];
	_ =	sdelay $0x3  }
0x34: {  	[smem:$0x3FB9] =	sst s10  }
0x35: {  	s10 =	sld [smem:$0x3FB8];
	_ =	sdelay $0x3  }
0x36: {  	p1 =	seq.s32 s10, $0x1;
	s10 =	sld [smem:$0x3FB9];
	_ =	sdelay $0x3  }
0x37: {  	[smem:$0x3FB9] =	sst s10  }
0x38: {  	s10 =	sld [smem:$0x3FBA]  }
0x39: {  	_ = 	snop;
	(pc) =	sbr.ind lr, $3  }
0x3a: {  	_ = 	snop  }
0x3b: {  	_ = 	snop  }
0x3c: {  	p2 =	seq.s32 s10, $0x1;
	s10 =	sld [smem:$0x3FB9]  }
0x3d: {  	_ =	shalt  }
0x3e: {  	_ =	shalt  }
0x3f: {  	_ =	shalt  }
0x40: {  	_ =	shalt  }
0x41: {  	_ =	shalt  }
0x42: {  	_ =	shalt  }
0x43: {  	_ =	shalt  }
0x44: {  	_ =	shalt  }
0x45: {  	_ =	shalt  }
0x46: {  	_ =	shalt  }
0x47: {  	_ =	shalt  }
0x48: {  	_ =	shalt  }
0x49: {  	_ =	shalt  }
0x4a: {  	_ =	shalt  }
0x4b: {  	_ =	shalt  }
0x4c: {  	_ =	shalt  }
0x4d: {  	_ =	shalt  }
0x4e: {  	_ =	shalt  }
0x4f: {  	_ =	shalt  }
0x50: {  	_ =	shalt  }
0x51: {  	_ =	shalt  }
0x52: {  	_ =	shalt  }
0x53: {  	_ =	shalt  }
0x54: {  	_ =	shalt  }
0x55: {  	_ =	shalt  }
0x56: {  	_ =	shalt  }
0x57: {  	_ =	shalt  }
0x58: {  	_ =	shalt  }
0x59: {  	_ =	shalt  }
0x5a: {  	_ =	shalt  }
0x5b: {  	_ =	shalt  }
0x5c: {  	_ =	shalt  }
0x5d: {  	_ =	shalt  }
0x5e: {  	_ =	shalt  }
0x5f: {  	_ =	shalt  }
0x60: {  	_ =	shalt  }
0x61: {  	_ =	shalt  }
0x62: {  	_ =	shalt  }
0x63: {  	_ =	shalt  }
0x64: {  	_ =	shalt  }
0x65: {  	_ =	shalt  }
0x66: {  	_ =	shalt  }
0x67: {  	_ =	shalt  }
0x68: {  	_ =	shalt  }
0x69: {  	_ =	shalt  }
0x6a: {  	_ =	shalt  }
0x6b: {  	_ =	shalt  }
0x6c: {  	_ =	shalt  }
0x6d: {  	_ =	shalt  }
0x6e: {  	_ =	shalt  }
0x6f: {  	_ =	shalt  }
0x70: {  	_ =	shalt  }
0x71: {  	_ =	shalt  }
0x72: {  	_ =	shalt  }
0x73: {  	_ =	shalt  }
0x74: {  	_ =	shalt  }
0x75: {  	_ =	shalt  }
0x76: {  	_ =	shalt  }
0x77: {  	_ =	shalt  }
0x78: {  	_ =	shalt  }
0x79: {  	_ =	shalt  }
0x7a: {  	_ =	shalt  }
0x7b: {  	_ =	shalt  }
0x7c: {  	_ =	shalt  }
0x7d: {  	_ =	shalt  }
0x7e: {  	_ =	shalt  }
0x7f: {  	_ =	shalt  }
0x80: {  	_ =	shalt  }
0x81: {  	_ =	shalt  }
0x82: {  	_ =	shalt  }
0x83: {  	_ =	shalt  }
0x84: {  	_ =	shalt  }
0x85: {  	_ =	shalt  }
0x86: {  	_ =	shalt  }
0x87: {  	_ =	shalt  }
.Lfunc_end0:
.L_simem_size_0:
called_computation_lowered:
.L_overlay_start_0:
0x88: {  	s2 =	sld [smem:$0x3FD9]  }
0x89: {  	s3 =	sld [smem:$0x3FFE];
	_ =	sdelay $0x1  }
0x8a: {  	s1 =	srdreg.scid  }
0x8b: {  	s0 =	sand.u32 $0x1, s1  }
0x8c: {  	s17 =	sshll.u32 s0, $0xA;
	s2 =	sadd.s32 s3, s2  }
0x8d: {  	s2 =	sadd.s32 s2, s17  }
0x8e: {  	[smem:$0x3FC5] =	sst s2  }
0x8f: {  	_ = 	snop  }
0x90: {  	s2 =	sld [smem:$0x3FC9]  }
0x91: {  	s18 =	sld [smem:$0x3FD0];
	(tm) =	ssettm $0x1  }
0x92: {  	s4 =	sld [smem:$0x3FFB];
	_ =	sdelay $0x3  }
0x93: {  	_ =	strace s4  }
0x94: {  	s4 =	sld [smem:$0x3FFC];
	_ =	sdelay $0x3  }
0x95: {  	_ =	strace s4  }
0x96: {  	s4 =	sld [smem:$0x3FFD];
	_ =	sdelay $0x3  }
0x97: {  	_ =	strace s4  }
0x98: {  	_ =	strace $0x8FFFFFFF  }
0x99: {  	s19 =	sld [smem:$0x3FDB];
	_ =	sdelay $0x1  }
0x9a: {  	s5 =	simm.s32 $_scs_section_size  }
0x9b: {  	s6 =	simm.s32 $_size__tile_overlayer_lowered;
	s7 =	simm.s32 $_tile_overlayer_lowered  }
0x9c: {  	s22 =	simm.s32 $0x1BFF;
	s21 =	sshll.u32 s7, $0x1;
	s4 =	sadd.s32 s5, s19  }
0x9d: {  	s8 =	simm.s32 $0x0;
	s20 =	sshll.u32 s6, $0x1;
	s6 =	sadd.s32 s21, s4  }
0x9e: {  	[timem:s8], [sflag:s22] =	dma.local [hbm:s6], s20  }
0x9f: {  	_ =	swait.ge [sflag:s22], s20  }
0xa0: {  	s5 =	ssub.s32 $0x0, s20;
	[sflag:s22] =	ssyncset.done $0x0  }
0xa1: {  	[sflag:s22] =	ssyncadd.s32 s5;
	_ =	sdelay $0x1  }
0xa2: {  	s23 =	simm.s32 $0x1B8B  }
0xa3: {  	_ =	swait.ge [sflag:s23], $0x1  }
0xa4: {  	[sflag:s23] =	ssyncset.done $0x0  }
0xa5: {  	s25 =	simm.s32 $0x1B8E;
	s24 =	sld [smem:$0x3FFE];
	[sflag:s23] =	ssyncadd.s32 $0xFFFFFFFF  }
0xa6: {  	s26 =	simm.s32 $execute0_lowered;
	[smem:$0x3FD2] =	sst s25  }
0xa7: {  	s6 =	sshll.u32 s26, $0x1;
	_ =	strace $0x80000046;
	[dreg:$0x1] =	wrdreg $0xFFFFFFFF  }
0xa8: {  	s28 =	simm.s32 $_size_execute0_lowered;
	s4 =	sadd.s32 s4, s6;
	[dreg:$0x0] =	wrdreg $0x0  }
0xa9: {  	s6 =	sshll.u32 s28, $0x1;
	[dreg:$0x2] =	wrdreg s4  }
0xaa: {  	[dreg:$0x3] =	wrdreg s6  }
0xab: {  	[dreg:$0x4] =	wrdreg $0xC0  }
0xac: {  	_ =	task [dreg:s8], $0x5FFFF  }
0xad: {  	[dreg:$0x1] =	wrdreg $0xFFFFFFFF  }
0xae: {  	[dreg:$0x0] =	wrdreg $0x60  }
0xaf: {  	[dreg:$0x2] =	wrdreg s2  }
0xb0: {  	[dreg:$0x3] =	wrdreg s18  }
0xb1: {  	[dreg:$0x4] =	wrdreg s24  }
0xb2: {  	[dreg:$0x5] =	wrdreg $0xA7000  }
0xb3: {  	[dreg:$0x6] =	wrdreg $0x1E7000  }
0xb4: {  	[dreg:$0x7] =	wrdreg $0x9  }
0xb5: {  	_ =	task.clear_ibuf [dreg:s8], $0x8FFFF;
	_ =	strace $0x90000046  }
0xb6: {  	s29 =	simm.s32 $0x9;
	_ =	strace $0x80000048  }
0xb7: {  	_ =	swait.ge [sflag:s29], $0x1  }
0xb8: {  	[sflag:s29] =	ssyncadd.s32 $0xFFFFFFFF  }
0xb9: {  	_ =	strace $0x90000048  }
0xba: {  	_ =	sfence  }
0xbb: {  	s30 =	sld [smem:$0x0];
	_ =	sdelay $0x2  }
0xbc: {  	s31 =	sshll.u32 s1, $0xD;
	s1 =	sshrl.u32 s1, $0x2  }
0xbd: {  	s3 =	sand.u32 $0x4000, s31;
	s1 =	sadd.s32 s1, s30  }
0xbe: {  	s0 =	sor.u32 s3, s0;
	s1 =	sshll.u32 s1, $0x11  }
0xbf: {  	s0 =	sor.u32 s1, s0  }
0xc0: {  	s0 =	sadd.s32 $0x8F2B, s0  }
0xc1: {  	[sflag:s0] =	ssyncadd.remote.s32 $0x1  }
0xc2: {  	_ =	sfence.sel $0xFFFF  }
0xc3: {  	[dreg:$0x0] =	wrdreg $0xFFFFFFFF;
	(pc) =	sbr.abs _section_cstart, $3  }
0xc4: {  	[dreg:$0x1] =	wrdreg $0xFFFFFFFF  }
0xc5: {  	_ =	task.clear_ibuf [dreg:s8], $0x2FFFF;
	_ =	strace $0x9FFFFFFF  }
0xc6: {  	(tm) =	ssettm $0x7FFFFFFF  }
0xc7: {  	_ =	shalt  }
tec
execute0_lowered:
.L_overlay_start_1:
0x0: {  	(tag) =	ssettag $0x1  }
0x1: {  	s1 =	rddreg [dreg:$0x0]  }
0x2: {  	s2 =	rddreg [dreg:$0x1]  }
0x3: {  	s0 =	rddreg [dreg:$0x2]  }
0x4: {  	s3 =	rddreg [dreg:$0x3]  }
0x5: {  	s4 =	rddreg [dreg:$0x4];
	s5 =	srdreg.scid  }
0x6: {  	s6 =	simm.s32 $0x0;
	s14 =	stileid.u32;
	s28 =	simm.s32 $0x80  }
0x7: {  	s30 =	simm.s32 $0x2;
	s31 =	simm.s32 $0x4;
	s9 =	smul.u32 $0x14000, s14  }
0x8: {  	s5 =	sand.u32 $0x1, s5;
	[smem:$0x7FF] =	sst s6;
	s13 =	smul.u32 $0x280, s14  }
0x9: {  	s7 =	sadd.s32 $0xC00, s0;
	s10 =	sadd.s32 $0xEDC00, s0;
	s20 =	sadd.s32 $0xF0400, s0  }
0xa: {  	s21 =	sshll.u32 s14, $0x1;
	s12 =	smul.u32 $0x50000, s14;
	s24 =	sshll.u32 s14, $0x6  }
0xb: {  	s8 =	smul.u32 $0x140000, s5;
	_ =	strace $0x80000047;
	[dreg:$0x6] =	wrdreg s10  }
0xc: {  	s19 =	smul.u32 $0x2800, s5;
	[dreg:$0x7] =	wrdreg s20;
	s11 =	sor.u32 s5, s21  }
0xd: {  	s5 =	ssub.s32 $0x2, s5;
	s21 =	simm.s32 $0x5;
	s10 =	smul.u32 $0x4F00, s11  }
0xe: {  	s22 =	sshrl.u32 s5, $0x1;
	s12 =	sshrl.u32 s12, $0x2;
	s11 =	smul.u32 $0x3B400, s11  }
0xf: {  	s16 =	sadd.s32 s13, s4;
	s8 =	sadd.s32 s9, s8;
	s9 =	sadd.s32 s13, s19  }
0x10: {  	s5 =	ssub.s32 s5, s22;
	s23 =	sadd.s32 s12, s3;
	s12 =	sor.u32 $0x1C05, s24  }
0x11: {  	s22 =	sshrl.u32 s16, $0x3;
	s8 =	sshrl.u32 s8, $0x3;
	s9 =	sshrl.u32 s9, $0x3  }
0x12: {  	s25 =	sshrl.u32 s10, $0x3;
	s15 =	sshrl.u32 s11, $0x3;
	s19 =	smax.u32 s5, $0x1  }
0x13: {  	s20 =	sshrl.u32 s23, $0x3;
	s5 =	simm.s32 $0x0;
	s13 =	sadd.s32 s2, s25  }
0x14: {  	s8 =	sadd.s32 s8, s0;
	s14 =	sadd.s32 s7, s15;
	s26 =	sadd.s32 $0x20, s13  }
0x15: {  	s0 =	sadd.s32 s9, s0;
	s29 =	sadd.s32 $0x180, s14;
	[dreg:$0x8] =	wrdreg s26  }
0x16: {  	s8 =	sadd.s32 $0xF1000, s8;
	s18 =	sadd.s32 $0xF0600, s0;
	[dreg:$0x9] =	wrdreg s29  }
0x17: {  	s0 =	simm.s32 $0x3;
	[dreg:$0xa] =	wrdreg s8;
	s26 =	simm.s32 $0x1  }
.LBB2_1:
0x18: {  	s8 =	rddreg [dreg:$0x6]  }
0x19: {  	[spmem:s20], [sflag:s12] =	dma.local [hbm:s8], $0x2800  }
0x1a: {  	_ =	swait.ge [sflag:s21], $0x2800  }
0x1b: {  	[sflag:s21] =	ssyncset.done $0x0  }
0x1c: {  	s16 =	rddreg [dreg:$0x7];
	[sflag:s21] =	ssyncadd.s32 $0xFFFFD800  }
0x1d: {  	[spmem:s22], [sflag:s12] =	dma.local [hbm:s16], $0x50  }
0x1e: {  	_ =	swait.ge [sflag:s21], $0x50  }
0x1f: {  	[sflag:s21] =	ssyncset.done $0x0  }
0x20: {  	[sflag:s21] =	ssyncadd.s32 $0xFFFFFFB0  }
0x21: {  	[bflag:$0x0] =	sbarrier.arrive $0xFFFF  }
0x22: {  	[tilespmem:s6], [sflag:$0x1] =	stream.linear.gather [hbm4b:s13+s6], $0x100, $0x38;
	[tilespmem:$0x1E980] =	vst v63  }
0x23: {  	s17 =	simm.s32 $0x300  }
0x24: {  	[tilespmem:s17], [sflag:$0x1] =	stream.linear.gather [hbm4b:s14+s6], $0x880, $0x38;
	[tilespmem:$0x1E980] =	vst v63  }
0x25: {  	s9 =	simm.s32 $0x100;
	s23 =	rddreg [dreg:$0x8]  }
0x26: {  	[tilespmem:s9], [sflag:$0x1] =	stream.linear.gather [hbm4b:s23+s6], $0x100, $0x38;
	[tilespmem:$0x1E980] =	vst v63  }
0x27: {  	s25 =	simm.s32 $0xF00;
	s24 =	rddreg [dreg:$0x9]  }
0x28: {  	[tilespmem:s25], [sflag:$0x1] =	stream.linear.gather [hbm4b:s24+s6], $0x880, $0x38;
	[tilespmem:$0x1E980] =	vst v63  }
0x29: {  	_ =	swait.ge [sflag:s26], $0x100  }
0x2a: {  	[sflag:s26] =	ssyncset.done $0x0  }
0x2b: {  	[sflag:s26] =	ssyncadd.s32 $0xFFFFFF00  }
0x2c: {  	_ =	swait.ge [sflag:s26], $0x880  }
0x2d: {  	[sflag:s26] =	ssyncset.done $0x0  }
0x2e: {  	s29 =	simm.s32 $0x2700;
	s8 =	simm.s32 $0x0;
	[sflag:s26] =	ssyncadd.s32 $0xFFFFF780  }
0x2f: {  	[tilespmem:s29], [sflag:$0x2] =	stream.indirect.gather [hbm4b:s1+s28], $0x80, s6, s28, $0xb8;
	[tilespmem:$0x1E980] =	vst v63  }
.LBB2_2:
0x30: {  	p0 =	seq.s32 s8, $0x0  }
0x31: {  	s9 =	simm.s32 @!p0 $0x4;
	p1 =	seq.s32 @!p0 s8, $0x4E  }
0x32: {  	_ =	swait.ge @!p0 [sflag:s9], $0x80;
	p1 =	por p0, !p1  }
.Ltmp0:
0x33: {  	[sflag:s9] =	ssyncset.done @!p0 $0x0;
	(pc) =	sbr.rel @!p1 .LBB2_4-.Ltmp0, $4  }
0x34: {  	[sflag:s9] =	ssyncadd.s32 @!p0 $0xFFFFFF80;
	s9 =	simm.s32 @!p0 $0x3  }
0x35: {  	_ =	swait.ge @!p0 [sflag:s9], $0x4000  }
0x36: {  	[sflag:s9] =	ssyncset.done @!p0 $0x0  }
0x37: {  	s23 =	simm.s32 @!p0 $0x4F;
	[sflag:s9] =	ssyncadd.s32 @!p0 $0xFFFFC000  }
0x38: {  	s23 =	sadd.s32 @!p0 $0x1, s8  }
0x39: {  	s23 =	simm.s32 @p0 $0x1  }
0x3a: {  	s9 =	smul.u32 $0xAB, s23;
	_ =	sdelay $0x1  }
0x3b: {  	s9 =	sshrl.u32 s9, $0x9  }
0x3c: {  	_ =	swait.ge [sflag:s26], $0x100;
	s9 =	sand.u32 $0x7F, s9  }
0x3d: {  	[sflag:s26] =	ssyncset.done $0x0;
	p0 =	sgt.u32 s8, $0x4C;
	s9 =	smul.u32 $0x3, s9  }
0x3e: {  	[sflag:s26] =	ssyncadd.s32 $0xFFFFFF00;
	s15 =	sshll.u32 s23, $0xE;
	s16 =	sadd.s32 @!p0 $0x2, s8  }
0x3f: {  	_ =	swait.ge [sflag:s26], $0x880;
	s15 =	sand.u32 $0x4000, s15;
	s9 =	ssub.s32 s23, s9  }
0x40: {  	s17 =	smul.u32 @!p0 $0xAB, s16;
	[sflag:s26] =	ssyncset.done $0x0;
	s9 =	sand.u32 $0xFF, s9  }
0x41: {  	s15 =	sor.u32 $0x2700, s15;
	[sflag:s26] =	ssyncadd.s32 $0xFFFFF780;
	s9 =	sshll.u32 s9, $0x8  }
0x42: {  	[tilespmem:s15], [sflag:$0x2] =	stream.indirect.gather [hbm4b:s1+s28], $0x80, s9, s28, $0xb8;
	[tilespmem:$0x1E980] =	vst v63  }
0x43: {  	s9 =	sshrl.u32 @!p0 s17, $0x9  }
0x44: {  	s9 =	sand.u32 @!p0 $0x7F, s9  }
0x45: {  	s9 =	smul.u32 @!p0 $0x3, s9  }
0x46: {  	s15 =	sshll.u32 @!p0 s16, $0x8  }
0x47: {  	s15 =	sadd.s32 @!p0 s10, s15;
	s9 =	ssub.s32 @!p0 s16, s9  }
0x48: {  	s15 =	sshrl.u32 @!p0 s15, $0x3;
	s9 =	sand.u32 @!p0 $0xFF, s9  }
0x49: {  	s24 =	simm.s32 @!p0 $0x0;
	s15 =	sadd.s32 @!p0 s2, s15;
	s17 =	sshll.u32 @!p0 s9, $0x8  }
0x4a: {  	[tilespmem:s17], [sflag:$0x1] =	stream.linear.gather @!p0 [hbm4b:s15+s24], $0x100, $0x38;
	[tilespmem:$0x1E980] =	vst v63  }
0x4b: {  	s15 =	smul.u32 @!p0 $0xC00, s16  }
0x4c: {  	s9 =	smul.u32 @!p0 $0x3000, s9  }
0x4d: {  	s15 =	sadd.s32 @!p0 s11, s15  }
0x4e: {  	s9 =	sshrl.u32 @!p0 s9, $0x2;
	s15 =	sshrl.u32 @!p0 s15, $0x3  }
0x4f: {  	s9 =	sor.u32 @!p0 $0x300, s9;
	s15 =	sadd.s32 @!p0 s7, s15  }
0x50: {  	[tilespmem:s9], [sflag:$0x1] =	stream.linear.gather @!p0 [hbm4b:s15+s24], $0x880, $0x38;
	[tilespmem:$0x1E980] =	vst v63  }
.LBB2_4:
0x51: {  	s9 =	smul.u32 $0xAB, s8;
	_ =	sdelay $0x1  }
0x52: {  	s9 =	sshrl.u32 s9, $0x9  }
0x53: {  	s9 =	sand.u32 $0x7F, s9  }
0x54: {  	s9 =	smul.u32 $0x3, s9;
	_ =	sdelay $0x1  }
0x55: {  	s9 =	ssub.s32 s8, s9  }
0x56: {  	s24 =	sand.u32 $0xFF, s9  }
0x57: {  	s9 =	smul.u32 $0x3000, s24;
	_ =	sdelay $0x1  }
0x58: {  	s9 =	sshrl.u32 s9, $0x2  }
0x59: {  	s15 =	sor.u32 $0x3F0, s9  }
0x5a: {  	v0 =	vmov s15  }
0x5b: {  	_ =	swait.ge [sflag:s30], $0x4000;
	s16 =	sand.u32 $0x1, s8  }
0x5c: {  	[sflag:s30] =	ssyncset.done $0x0;
	s25 =	sshll.u32 s16, $0xE  }
0x5d: {  	[sflag:s30] =	ssyncadd.s32 $0xFFFFC000;
	s29 =	sor.u32 $0x2900, s25  }
0x5e: {  	s25 =	simm.s32 $0x0;
	v2 =	vld [tilespmem:s29+$0xFFFFFE70]  }
0x5f: {  	v3 =	vld.idx.msk [tilespmem:v0+s25+$0xFFFFFF90 ss:$0x1], $0xffff  }
0x60: {  	v4 =	vld [tilespmem:s29+$0xFFFFFE00]  }
0x61: {  	v5 =	vld [tilespmem:s29+$0xFFFFFE20]  }
0x62: {  	v1 =	vld [tilespmem:s29+$0xFFFFFE50]  }
0x63: {  	v6 =	vld [tilespmem:s29+$0xFFFFFE30]  }
0x64: {  	v8 =	vld [tilespmem:s29+$0xFFFFFE10];
	v2 =	vmul.f32 v2, v3  }
0x65: {  	v9 =	vld [tilespmem:s29+$0xFFFFFE40];
	v4 =	vmul.f32 v4, v3  }
0x66: {  	v7 =	vld [tilespmem:s29+$0xFFFFFE60];
	v5 =	vmul.f32 v5, v3;
	[tilespmem:s29+$0xFFFFFE70] =	vst v2  }
0x67: {  	v1 =	vmul.f32 v1, v3;
	[tilespmem:s29+$0xFFFFFE00] =	vst v4  }
0x68: {  	v2 =	vmul.f32 v6, v3;
	[tilespmem:s29+$0xFFFFFE20] =	vst v5  }
0x69: {  	v4 =	vmul.f32 v8, v3;
	[tilespmem:s29+$0xFFFFFE50] =	vst v1  }
0x6a: {  	v1 =	vmul.f32 v9, v3;
	[tilespmem:s29+$0xFFFFFE30] =	vst v2  }
0x6b: {  	v2 =	vmul.f32 v7, v3;
	[tilespmem:s29+$0xFFFFFE10] =	vst v4  }
0x6c: {  	[tilespmem:s29+$0xFFFFFE40] =	vst v1  }
0x6d: {  	v3 =	vld [tilespmem:s29+$0xFFFFFE90];
	[tilespmem:s29+$0xFFFFFE60] =	vst v2  }
0x6e: {  	v1 =	vld.idx.msk [tilespmem:v0+s25+$0xFFFFFFA0 ss:$0x1], $0xffff  }
0x6f: {  	v4 =	vld [tilespmem:s29+$0xFFFFFEC0]  }
0x70: {  	v5 =	vld [tilespmem:s29+$0xFFFFFEE0]  }
0x71: {  	v2 =	vld [tilespmem:s29+$0xFFFFFEF0]  }
0x72: {  	v6 =	vld [tilespmem:s29+$0xFFFFFE80]  }
0x73: {  	v7 =	vld [tilespmem:s29+$0xFFFFFED0];
	v3 =	vmul.f32 v3, v1  }
0x74: {  	v9 =	vld [tilespmem:s29+$0xFFFFFEB0];
	v4 =	vmul.f32 v4, v1  }
0x75: {  	v8 =	vld [tilespmem:s29+$0xFFFFFEA0];
	v5 =	vmul.f32 v5, v1;
	[tilespmem:s29+$0xFFFFFE90] =	vst v3  }
0x76: {  	v2 =	vmul.f32 v2, v1;
	[tilespmem:s29+$0xFFFFFEC0] =	vst v4  }
0x77: {  	v3 =	vmul.f32 v6, v1;
	[tilespmem:s29+$0xFFFFFEE0] =	vst v5  }
0x78: {  	v4 =	vmul.f32 v7, v1;
	[tilespmem:s29+$0xFFFFFEF0] =	vst v2  }
0x79: {  	[tilespmem:s29+$0xFFFFFE80] =	vst v3;
	v3 =	vmul.f32 v9, v1  }
0x7a: {  	v1 =	vmul.f32 v8, v1;
	[tilespmem:s29+$0xFFFFFED0] =	vst v4  }
0x7b: {  	[tilespmem:s29+$0xFFFFFEB0] =	vst v3  }
0x7c: {  	[tilespmem:s29+$0xFFFFFEA0] =	vst v1;
	v3 =	vld [tilespmem:s29+$0xFFFFFF20]  }
0x7d: {  	v1 =	vld.idx.msk [tilespmem:v0+s25+$0xFFFFFFB0 ss:$0x1], $0xffff  }
0x7e: {  	v4 =	vld [tilespmem:s29+$0xFFFFFF00]  }
0x7f: {  	v5 =	vld [tilespmem:s29+$0xFFFFFF60]  }
0x80: {  	v2 =	vld [tilespmem:s29+$0xFFFFFF70]  }
0x81: {  	v6 =	vld [tilespmem:s29+$0xFFFFFF50]  }
0x82: {  	v7 =	vld [tilespmem:s29+$0xFFFFFF10];
	v3 =	vmul.f32 v3, v1  }
0x83: {  	v9 =	vld [tilespmem:s29+$0xFFFFFF30];
	v4 =	vmul.f32 v4, v1  }
0x84: {  	v8 =	vld [tilespmem:s29+$0xFFFFFF40];
	v5 =	vmul.f32 v5, v1;
	[tilespmem:s29+$0xFFFFFF20] =	vst v3  }
0x85: {  	v2 =	vmul.f32 v2, v1;
	[tilespmem:s29+$0xFFFFFF00] =	vst v4  }
0x86: {  	v3 =	vmul.f32 v6, v1;
	[tilespmem:s29+$0xFFFFFF60] =	vst v5  }
0x87: {  	v4 =	vmul.f32 v7, v1;
	[tilespmem:s29+$0xFFFFFF70] =	vst v2  }
0x88: {  	[tilespmem:s29+$0xFFFFFF50] =	vst v3;
	v3 =	vmul.f32 v9, v1  }
0x89: {  	v1 =	vmul.f32 v8, v1;
	[tilespmem:s29+$0xFFFFFF10] =	vst v4  }
0x8a: {  	[tilespmem:s29+$0xFFFFFF30] =	vst v3  }
0x8b: {  	v2 =	vld [tilespmem:s29+$0xFFFFFF80];
	[tilespmem:s29+$0xFFFFFF40] =	vst v1  }
0x8c: {  	v1 =	vld.idx.msk [tilespmem:v0+s25+$0xFFFFFFC0 ss:$0x1], $0xffff  }
0x8d: {  	v3 =	vld [tilespmem:s29+$0xFFFFFF90]  }
0x8e: {  	v4 =	vld [tilespmem:s29+$0xFFFFFFE0]  }
0x8f: {  	v5 =	vld [tilespmem:s29+$0xFFFFFFA0]  }
0x90: {  	v6 =	vld [tilespmem:s29+$0xFFFFFFB0]  }
0x91: {  	v7 =	vld [tilespmem:s29+$0xFFFFFFF0];
	v2 =	vmul.f32 v2, v1  }
0x92: {  	v8 =	vld [tilespmem:s29+$0xFFFFFFC0];
	v3 =	vmul.f32 v3, v1  }
0x93: {  	v9 =	vld [tilespmem:s29+$0xFFFFFFD0];
	v4 =	vmul.f32 v4, v1;
	[tilespmem:s29+$0xFFFFFF80] =	vst v2  }
0x94: {  	v2 =	vmul.f32 v5, v1;
	[tilespmem:s29+$0xFFFFFF90] =	vst v3  }
0x95: {  	v3 =	vmul.f32 v6, v1;
	[tilespmem:s29+$0xFFFFFFE0] =	vst v4  }
0x96: {  	v4 =	vmul.f32 v7, v1;
	[tilespmem:s29+$0xFFFFFFA0] =	vst v2  }
0x97: {  	v10 =	vld [tilespmem:s29+$0x40];
	v2 =	vmul.f32 v8, v1;
	[tilespmem:s29+$0xFFFFFFB0] =	vst v3  }
0x98: {  	v6 =	vld [tilespmem:s29+$0x20];
	v3 =	vmul.f32 v9, v1;
	[tilespmem:s29+$0xFFFFFFF0] =	vst v4  }
0x99: {  	v7 =	vld [tilespmem:s29+$0x30];
	[tilespmem:s29+$0xFFFFFFC0] =	vst v2  }
0x9a: {  	v8 =	vld [tilespmem:s29+$0x0];
	[tilespmem:s29+$0xFFFFFFD0] =	vst v3  }
0x9b: {  	v2 =	vld.idx.msk [tilespmem:v0+s25+$0xFFFFFFD0 ss:$0x1], $0xffff  }
0x9c: {  	v5 =	vld [tilespmem:s29+$0x60]  }
0x9d: {  	v4 =	vld [tilespmem:s29+$0x50]  }
0x9e: {  	s16 =	sshll.u32 s8, $0xE;
	v3 =	vld [tilespmem:s29+$0x10]  }
0x9f: {  	s17 =	sand.u32 $0x4000, s16;
	s16 =	simm.s32 $0x200;
	v1 =	vld [tilespmem:s29+$0x70]  }
0xa0: {  	s8 =	sor.u32 $0x300, s9;
	s9 =	sor.u32 $0x2700, s17;
	s15 =	smov.u32 s29;
	v9 =	vmul.f32 v8, v2;
	v8 =	vmul.f32 v10, v2  }
.LBB2_5:
0xa1: {  	p0 =	sne.s32 s16, $0x1E00  }
0xa2: {  	v6 =	vmul.f32 v6, v2;
	v7 =	vmul.f32 v7, v2;
	s29 =	sadd.s32 $0x400, s29;
	s17 =	smov.u32 s16;
	s16 =	sadd.s32 $0x200, s16  }
0xa3: {  	v3 =	vmul.f32 v3, v2;
	[tilespmem:s15+$0x0] =	vst v9;
	v4 =	vmul.f32 v4, v2  }
0xa4: {  	v1 =	vmul.f32 v1, v2;
	[tilespmem:s15+$0x40] =	vst v8;
	v5 =	vmul.f32 v5, v2  }
0xa5: {  	[tilespmem:s15+$0x20] =	vst v6  }
0xa6: {  	[tilespmem:s15+$0x10] =	vst v3  }
0xa7: {  	[tilespmem:s15+$0x70] =	vst v1;
	v1 =	vld [tilespmem:s15+$0xA0]  }
0xa8: {  	[tilespmem:s15+$0x30] =	vst v7;
	v2 =	vld [tilespmem:s15+$0x80]  }
0xa9: {  	[tilespmem:s15+$0x60] =	vst v5;
	v3 =	vld [tilespmem:s15+$0xF0]  }
0xaa: {  	[tilespmem:s15+$0x50] =	vst v4;
	v4 =	vld [tilespmem:s15+$0xE0]  }
0xab: {  	v5 =	vld.idx.msk [tilespmem:v0+s25+$0xFFFFFFE0 ss:$0x1], $0xffff  }
0xac: {  	v6 =	vld [tilespmem:s15+$0x90]  }
0xad: {  	v7 =	vld [tilespmem:s15+$0xB0]  }
0xae: {  	v8 =	vld [tilespmem:s15+$0xC0]  }
0xaf: {  	v9 =	vld [tilespmem:s15+$0xD0];
	_ =	sdelay $0x1  }
0xb0: {  	v2 =	vmul.f32 v2, v5;
	v6 =	vmul.f32 v6, v5  }
0xb1: {  	v1 =	vmul.f32 v1, v5;
	v7 =	vmul.f32 v7, v5  }
0xb2: {  	v3 =	vmul.f32 v3, v5;
	[tilespmem:s15+$0x80] =	vst v2;
	v2 =	vmul.f32 v8, v5  }
0xb3: {  	v4 =	vmul.f32 v4, v5;
	[tilespmem:s15+$0xA0] =	vst v1;
	v1 =	vmul.f32 v9, v5  }
0xb4: {  	[tilespmem:s15+$0xB0] =	vst v7  }
0xb5: {  	[tilespmem:s15+$0xF0] =	vst v3  }
0xb6: {  	[tilespmem:s15+$0xE0] =	vst v4;
	v3 =	vld [tilespmem:s15+$0x120]  }
0xb7: {  	[tilespmem:s15+$0x90] =	vst v6;
	v4 =	vld [tilespmem:s15+$0x100]  }
0xb8: {  	[tilespmem:s15+$0xC0] =	vst v2;
	v2 =	vld [tilespmem:s15+$0x110]  }
0xb9: {  	[tilespmem:s15+$0xD0] =	vst v1;
	v1 =	vld [tilespmem:s15+$0x130]  }
0xba: {  	v5 =	vld.idx.msk [tilespmem:v0+s25+$0xFFFFFFF0 ss:$0x1], $0xffff  }
0xbb: {  	v6 =	vld [tilespmem:s15+$0x160]  }
0xbc: {  	v7 =	vld [tilespmem:s15+$0x140]  }
0xbd: {  	v8 =	vld [tilespmem:s15+$0x150]  }
0xbe: {  	v9 =	vld [tilespmem:s15+$0x170];
	_ =	sdelay $0x1  }
0xbf: {  	v4 =	vmul.f32 v4, v5;
	v6 =	vmul.f32 v6, v5  }
0xc0: {  	v3 =	vmul.f32 v3, v5;
	v1 =	vmul.f32 v1, v5  }
0xc1: {  	[tilespmem:s15+$0x100] =	vst v4;
	v4 =	vmul.f32 v7, v5;
	v7 =	vmul.f32 v8, v5  }
0xc2: {  	v2 =	vmul.f32 v2, v5;
	[tilespmem:s15+$0x120] =	vst v3;
	v3 =	vmul.f32 v9, v5  }
0xc3: {  	[tilespmem:s15+$0x130] =	vst v1  }
0xc4: {  	[tilespmem:s15+$0x160] =	vst v6  }
0xc5: {  	[tilespmem:s15+$0x110] =	vst v2;
	v1 =	vld [tilespmem:s15+$0x180]  }
0xc6: {  	[tilespmem:s15+$0x140] =	vst v4;
	v2 =	vld [tilespmem:s15+$0x1C0]  }
0xc7: {  	[tilespmem:s15+$0x150] =	vst v7;
	v4 =	vld [tilespmem:s15+$0x1B0]  }
0xc8: {  	[tilespmem:s15+$0x170] =	vst v3;
	v3 =	vld [tilespmem:s15+$0x1F0]  }
0xc9: {  	v5 =	vld.idx.msk [tilespmem:v0+s25+$0x0 ss:$0x1], $0xffff  }
0xca: {  	v6 =	vld [tilespmem:s15+$0x190]  }
0xcb: {  	v7 =	vld [tilespmem:s15+$0x1A0]  }
0xcc: {  	v8 =	vld [tilespmem:s15+$0x1D0]  }
0xcd: {  	v9 =	vld [tilespmem:s15+$0x1E0];
	_ =	sdelay $0x1  }
0xce: {  	v1 =	vmul.f32 v1, v5;
	v6 =	vmul.f32 v6, v5  }
0xcf: {  	v4 =	vmul.f32 v4, v5;
	v7 =	vmul.f32 v7, v5  }
0xd0: {  	[tilespmem:s15+$0x180] =	vst v1;
	v1 =	vmul.f32 v2, v5;
	v2 =	vmul.f32 v8, v5  }
0xd1: {  	v3 =	vmul.f32 v3, v5;
	[tilespmem:s15+$0x1B0] =	vst v4;
	v4 =	vmul.f32 v9, v5  }
0xd2: {  	[tilespmem:s15+$0x190] =	vst v6  }
0xd3: {  	[tilespmem:s15+$0x1C0] =	vst v1  }
0xd4: {  	v1 =	vld [tilespmem:s29+$0xFFFFFE50];
	[tilespmem:s15+$0x1A0] =	vst v7  }
0xd5: {  	v5 =	vld [tilespmem:s29+$0xFFFFFE30];
	[tilespmem:s15+$0x1F0] =	vst v3  }
0xd6: {  	v3 =	vld [tilespmem:s29+$0xFFFFFE60];
	[tilespmem:s15+$0x1D0] =	vst v2  }
0xd7: {  	s25 =	sshra.s32 s17, $0x2;
	v2 =	vld [tilespmem:s29+$0xFFFFFE70];
	[tilespmem:s15+$0x1E0] =	vst v4;
	s15 =	smov.u32 s29  }
0xd8: {  	v4 =	vld.idx.msk [tilespmem:v0+s25+$0xFFFFFF90 ss:$0x1], $0xffff  }
0xd9: {  	v6 =	vld [tilespmem:s29+$0xFFFFFE00]  }
0xda: {  	v7 =	vld [tilespmem:s29+$0xFFFFFE20]  }
0xdb: {  	v8 =	vld [tilespmem:s29+$0xFFFFFE10]  }
0xdc: {  	v9 =	vld [tilespmem:s29+$0xFFFFFE40];
	_ =	sdelay $0x1  }
0xdd: {  	v2 =	vmul.f32 v2, v4;
	v6 =	vmul.f32 v6, v4  }
0xde: {  	v3 =	vmul.f32 v3, v4;
	v7 =	vmul.f32 v7, v4  }
0xdf: {  	v5 =	vmul.f32 v5, v4;
	v8 =	vmul.f32 v8, v4;
	[tilespmem:s29+$0xFFFFFE70] =	vst v2  }
0xe0: {  	v1 =	vmul.f32 v1, v4;
	[tilespmem:s29+$0xFFFFFE00] =	vst v6;
	v2 =	vmul.f32 v9, v4  }
0xe1: {  	[tilespmem:s29+$0xFFFFFE20] =	vst v7  }
0xe2: {  	[tilespmem:s29+$0xFFFFFE30] =	vst v5  }
0xe3: {  	[tilespmem:s29+$0xFFFFFE50] =	vst v1;
	v1 =	vld [tilespmem:s29+$0xFFFFFEF0]  }
0xe4: {  	[tilespmem:s29+$0xFFFFFE10] =	vst v8;
	v4 =	vld [tilespmem:s29+$0xFFFFFED0]  }
0xe5: {  	[tilespmem:s29+$0xFFFFFE60] =	vst v3;
	v3 =	vld [tilespmem:s29+$0xFFFFFEE0]  }
0xe6: {  	[tilespmem:s29+$0xFFFFFE40] =	vst v2;
	v2 =	vld [tilespmem:s29+$0xFFFFFEC0]  }
0xe7: {  	v5 =	vld.idx.msk [tilespmem:v0+s25+$0xFFFFFFA0 ss:$0x1], $0xffff  }
0xe8: {  	v6 =	vld [tilespmem:s29+$0xFFFFFE90]  }
0xe9: {  	v7 =	vld [tilespmem:s29+$0xFFFFFE80]  }
0xea: {  	v8 =	vld [tilespmem:s29+$0xFFFFFEA0]  }
0xeb: {  	v9 =	vld [tilespmem:s29+$0xFFFFFEB0];
	_ =	sdelay $0x1  }
0xec: {  	v2 =	vmul.f32 v2, v5;
	v6 =	vmul.f32 v6, v5  }
0xed: {  	v3 =	vmul.f32 v3, v5;
	v7 =	vmul.f32 v7, v5  }
0xee: {  	v4 =	vmul.f32 v4, v5;
	[tilespmem:s29+$0xFFFFFE90] =	vst v6;
	v6 =	vmul.f32 v8, v5  }
0xef: {  	v1 =	vmul.f32 v1, v5;
	v8 =	vmul.f32 v9, v5;
	[tilespmem:s29+$0xFFFFFEC0] =	vst v2  }
0xf0: {  	[tilespmem:s29+$0xFFFFFEE0] =	vst v3  }
0xf1: {  	[tilespmem:s29+$0xFFFFFE80] =	vst v7  }
0xf2: {  	[tilespmem:s29+$0xFFFFFEF0] =	vst v1;
	v1 =	vld [tilespmem:s29+$0xFFFFFF70]  }
0xf3: {  	[tilespmem:s29+$0xFFFFFED0] =	vst v4;
	v2 =	vld [tilespmem:s29+$0xFFFFFF50]  }
0xf4: {  	[tilespmem:s29+$0xFFFFFEB0] =	vst v8;
	v3 =	vld [tilespmem:s29+$0xFFFFFF10]  }
0xf5: {  	[tilespmem:s29+$0xFFFFFEA0] =	vst v6;
	v4 =	vld [tilespmem:s29+$0xFFFFFF60]  }
0xf6: {  	v5 =	vld.idx.msk [tilespmem:v0+s25+$0xFFFFFFB0 ss:$0x1], $0xffff  }
0xf7: {  	v6 =	vld [tilespmem:s29+$0xFFFFFF20]  }
0xf8: {  	v7 =	vld [tilespmem:s29+$0xFFFFFF00]  }
0xf9: {  	v8 =	vld [tilespmem:s29+$0xFFFFFF40]  }
0xfa: {  	v9 =	vld [tilespmem:s29+$0xFFFFFF30];
	_ =	sdelay $0x1  }
0xfb: {  	v4 =	vmul.f32 v4, v5;
	v6 =	vmul.f32 v6, v5  }
0xfc: {  	v3 =	vmul.f32 v3, v5;
	v7 =	vmul.f32 v7, v5  }
0xfd: {  	v2 =	vmul.f32 v2, v5;
	[tilespmem:s29+$0xFFFFFF20] =	vst v6;
	v6 =	vmul.f32 v8, v5  }
0xfe: {  	v1 =	vmul.f32 v1, v5;
	[tilespmem:s29+$0xFFFFFF00] =	vst v7;
	v7 =	vmul.f32 v9, v5  }
0xff: {  	[tilespmem:s29+$0xFFFFFF60] =	vst v4  }
0x100: {  	[tilespmem:s29+$0xFFFFFF50] =	vst v2  }
0x101: {  	[tilespmem:s29+$0xFFFFFF70] =	vst v1;
	v1 =	vld [tilespmem:s29+$0xFFFFFFF0]  }
0x102: {  	[tilespmem:s29+$0xFFFFFF10] =	vst v3;
	v2 =	vld [tilespmem:s29+$0xFFFFFFD0]  }
0x103: {  	[tilespmem:s29+$0xFFFFFF30] =	vst v7;
	v3 =	vld [tilespmem:s29+$0xFFFFFFB0]  }
0x104: {  	[tilespmem:s29+$0xFFFFFF40] =	vst v6;
	v4 =	vld [tilespmem:s29+$0xFFFFFFE0]  }
0x105: {  	v5 =	vld.idx.msk [tilespmem:v0+s25+$0xFFFFFFC0 ss:$0x1], $0xffff  }
0x106: {  	v6 =	vld [tilespmem:s29+$0xFFFFFF80]  }
0x107: {  	v7 =	vld [tilespmem:s29+$0xFFFFFF90]  }
0x108: {  	v8 =	vld [tilespmem:s29+$0xFFFFFFA0]  }
0x109: {  	v9 =	vld [tilespmem:s29+$0xFFFFFFC0];
	_ =	sdelay $0x1  }
0x10a: {  	v4 =	vmul.f32 v4, v5;
	v6 =	vmul.f32 v6, v5  }
0x10b: {  	v3 =	vmul.f32 v3, v5;
	v7 =	vmul.f32 v7, v5  }
0x10c: {  	v2 =	vmul.f32 v2, v5;
	[tilespmem:s29+$0xFFFFFF80] =	vst v6;
	v6 =	vmul.f32 v8, v5  }
0x10d: {  	v1 =	vmul.f32 v1, v5;
	[tilespmem:s29+$0xFFFFFF90] =	vst v7;
	v7 =	vmul.f32 v9, v5  }
0x10e: {  	[tilespmem:s29+$0xFFFFFFE0] =	vst v4  }
0x10f: {  	[tilespmem:s29+$0xFFFFFFA0] =	vst v6  }
0x110: {  	[tilespmem:s29+$0xFFFFFFB0] =	vst v3;
	v8 =	vld [tilespmem:s29+$0x0]  }
0x111: {  	[tilespmem:s29+$0xFFFFFFF0] =	vst v1;
	v1 =	vld [tilespmem:s29+$0x70]  }
0x112: {  	[tilespmem:s29+$0xFFFFFFC0] =	vst v7;
	v3 =	vld [tilespmem:s29+$0x10]  }
0x113: {  	[tilespmem:s29+$0xFFFFFFD0] =	vst v2;
	v6 =	vld [tilespmem:s29+$0x20]  }
0x114: {  	v2 =	vld.idx.msk [tilespmem:v0+s25+$0xFFFFFFD0 ss:$0x1], $0xffff  }
0x115: {  	v10 =	vld [tilespmem:s29+$0x40]  }
.Ltmp1:
0x116: {  	v7 =	vld [tilespmem:s29+$0x30];
	(pc) =	sbr.rel @p0 .LBB2_5-.Ltmp1, $3  }
0x117: {  	v4 =	vld [tilespmem:s29+$0x50]  }
0x118: {  	v5 =	vld [tilespmem:s29+$0x60];
	_ =	sdelay $0x1  }
0x119: {  	v9 =	vmul.f32 v8, v2;
	v8 =	vmul.f32 v10, v2  }
0x11a: {  	_ = 	snop  }
0x11b: {  	v6 =	vmul.f32 v6, v2;
	[tilespmem:s15+$0x0] =	vst v9  }
0x11c: {  	v3 =	vmul.f32 v3, v2;
	[tilespmem:s15+$0x40] =	vst v8  }
0x11d: {  	v1 =	vmul.f32 v1, v2;
	[tilespmem:s15+$0x20] =	vst v6  }
0x11e: {  	v24 =	vmul.f32 v7, v2;
	[tilespmem:s15+$0x10] =	vst v3  }
0x11f: {  	v26 =	vmul.f32 v4, v2;
	[tilespmem:s15+$0x70] =	vst v1  }
0x120: {  	v25 =	vmul.f32 v5, v2;
	[tilespmem:s15+$0x30] =	vst v24  }
0x121: {  	[tilespmem:s15+$0x50] =	vst v26  }
0x122: {  	v27 =	vld [tilespmem:s15+$0x80];
	[tilespmem:s15+$0x60] =	vst v25  }
0x123: {  	v1 =	vld.idx.msk [tilespmem:v0+s25+$0xFFFFFFE0 ss:$0x1], $0xffff  }
0x124: {  	v28 =	vld [tilespmem:s15+$0xA0]  }
0x125: {  	v29 =	vld [tilespmem:s15+$0xB0]  }
0x126: {  	v30 =	vld [tilespmem:s15+$0xF0]  }
0x127: {  	v31 =	vld [tilespmem:s15+$0xE0]  }
0x128: {  	v32 =	vld [tilespmem:s15+$0x90];
	v2 =	vmul.f32 v27, v1  }
0x129: {  	v33 =	vld [tilespmem:s15+$0xC0];
	v3 =	vmul.f32 v28, v1  }
0x12a: {  	v34 =	vld [tilespmem:s15+$0xD0];
	v4 =	vmul.f32 v29, v1;
	[tilespmem:s15+$0x80] =	vst v2  }
0x12b: {  	v35 =	vmul.f32 v30, v1;
	[tilespmem:s15+$0xA0] =	vst v3  }
0x12c: {  	v36 =	vmul.f32 v31, v1;
	[tilespmem:s15+$0xB0] =	vst v4  }
0x12d: {  	v37 =	vmul.f32 v32, v1;
	[tilespmem:s15+$0xF0] =	vst v35  }
0x12e: {  	v38 =	vmul.f32 v33, v1;
	[tilespmem:s15+$0xE0] =	vst v36  }
0x12f: {  	v1 =	vmul.f32 v34, v1;
	[tilespmem:s15+$0x90] =	vst v37  }
0x130: {  	[tilespmem:s15+$0xC0] =	vst v38  }
0x131: {  	v39 =	vld [tilespmem:s15+$0x100];
	[tilespmem:s15+$0xD0] =	vst v1  }
0x132: {  	v1 =	vld.idx.msk [tilespmem:v0+s25+$0xFFFFFFF0 ss:$0x1], $0xffff  }
0x133: {  	v40 =	vld [tilespmem:s15+$0x120]  }
0x134: {  	v41 =	vld [tilespmem:s15+$0x130]  }
0x135: {  	v42 =	vld [tilespmem:s15+$0x160]  }
0x136: {  	v43 =	vld [tilespmem:s15+$0x110]  }
0x137: {  	v44 =	vld [tilespmem:s15+$0x140];
	v3 =	vmul.f32 v39, v1  }
0x138: {  	v45 =	vld [tilespmem:s15+$0x150];
	v2 =	vmul.f32 v40, v1  }
0x139: {  	v46 =	vld [tilespmem:s15+$0x170];
	v4 =	vmul.f32 v41, v1;
	[tilespmem:s15+$0x100] =	vst v3  }
0x13a: {  	v47 =	vmul.f32 v42, v1;
	[tilespmem:s15+$0x120] =	vst v2  }
0x13b: {  	v48 =	vmul.f32 v43, v1;
	[tilespmem:s15+$0x130] =	vst v4  }
0x13c: {  	v49 =	vmul.f32 v44, v1;
	[tilespmem:s15+$0x160] =	vst v47  }
0x13d: {  	v50 =	vmul.f32 v45, v1;
	[tilespmem:s15+$0x110] =	vst v48  }
0x13e: {  	v1 =	vmul.f32 v46, v1;
	[tilespmem:s15+$0x140] =	vst v49  }
0x13f: {  	[tilespmem:s15+$0x150] =	vst v50  }
0x140: {  	v51 =	vld [tilespmem:s15+$0x180];
	[tilespmem:s15+$0x170] =	vst v1  }
0x141: {  	v52 =	vld.idx.msk [tilespmem:v0+s25+$0x0 ss:$0x1], $0xffff  }
0x142: {  	v53 =	vld [tilespmem:s15+$0x1B0]  }
0x143: {  	v54 =	vld [tilespmem:s15+$0x190]  }
0x144: {  	v55 =	vld [tilespmem:s15+$0x1C0]  }
0x145: {  	v56 =	vld [tilespmem:s15+$0x1A0]  }
0x146: {  	v57 =	vld [tilespmem:s15+$0x1F0];
	v2 =	vmul.f32 v51, v52  }
0x147: {  	v58 =	vld [tilespmem:s15+$0x1D0];
	v1 =	vmul.f32 v53, v52  }
0x148: {  	v59 =	vld [tilespmem:s15+$0x1E0];
	v3 =	vmul.f32 v54, v52;
	[tilespmem:s15+$0x180] =	vst v2  }
0x149: {  	v60 =	vmul.f32 v55, v52;
	[tilespmem:s15+$0x1B0] =	vst v1  }
0x14a: {  	v61 =	vmul.f32 v56, v52;
	[tilespmem:s15+$0x190] =	vst v3  }
0x14b: {  	v62 =	vmul.f32 v57, v52;
	[tilespmem:s15+$0x1C0] =	vst v60  }
0x14c: {  	v63 =	vmul.f32 v58, v52;
	[tilespmem:s15+$0x1A0] =	vst v61  }
0x14d: {  	p0 =	slt.u32 s23, $0x4F;
	v0 =	vmul.f32 v59, v52;
	[tilespmem:s15+$0x1F0] =	vst v62  }
.Ltmp2:
0x14e: {  	s16 =	sshll.u32 s24, $0x8;
	[tilespmem:s15+$0x1D0] =	vst v63;
	(pc) =	sbr.rel @p0 .LBB2_2-.Ltmp2, $4  }
0x14f: {  	s29 =	sor.u32 $0x80, s16;
	[tilespmem:s15+$0x1E0] =	vst v0  }
0x150: {  	[spmem:s4] =	stream.indirect.scatter.add.f32 [tilespmem:s8], [sflag:$0x4], $0x1, s29, s28, $0xb8;
	[tilespmem:$0x1E980] =	vst v63  }
0x151: {  	s8 =	smov.u32 s23  }
0x152: {  	[spmem:s3] =	stream.indirect.scatter.add.f32 [tilespmem:s9], [sflag:$0x3], $0x80, s29, s28, $0xb8;
	[tilespmem:$0x1E980] =	vst v63  }
0x153: {  	_ =	swait.ge [sflag:s31], $0x80  }
0x154: {  	[sflag:s31] =	ssyncset.done $0x0  }
0x155: {  	[sflag:s31] =	ssyncadd.s32 $0xFFFFFF80  }
0x156: {  	_ =	swait.ge [sflag:s0], $0x4000  }
0x157: {  	[sflag:s0] =	ssyncset.done $0x0  }
0x158: {  	[sflag:s0] =	ssyncadd.s32 $0xFFFFC000  }
0x159: {  	[bflag:$0x0] =	sbarrier.arrive $0xFFFF  }
0x15a: {  	s8 =	rddreg [dreg:$0xa]  }
0x15b: {  	[hbm:s8], [sflag:s12] =	dma.local [spmem:s20], $0x2800  }
0x15c: {  	s5 =	sadd.s32 $0x1, s5;
	_ =	swait.ge [sflag:s21], $0x2800  }
0x15d: {  	p0 =	sne.s32 s5, s19;
	[sflag:s21] =	ssyncset.done $0x0  }
.Ltmp3:
0x15e: {  	[sflag:s21] =	ssyncadd.s32 $0xFFFFD800;
	(pc) =	sbr.rel @p0 .LBB2_1-.Ltmp3, $4  }
0x15f: {  	[hbm:s18], [sflag:s12] =	dma.local [spmem:s22], $0x50  }
0x160: {  	_ =	swait.ge [sflag:s21], $0x50  }
0x161: {  	[sflag:s21] =	ssyncset.done $0x0  }
0x162: {  	[sflag:s21] =	ssyncadd.s32 $0xFFFFFFB0  }
0x163: {  	_ =	sfence.sel $0x180000  }
0x164: {  	[bflag:$0x0] =	sbarrier.arrive $0xFFFF  }
0x165: {  	_ =	strace $0x90000047  }
0x166: {  	s0 =	stileid.u32;
	[bflag:$0x2] =	sbarrier.arrive $0xFFFF  }
0x167: {  	p0 =	sne.s32 s0, $0x0;
	s0 =	rddreg [dreg:$0x5]  }
0x168: {  	s0 =	sadd.s32 @!p0 $0x100000, s0  }
0x169: {  	[sflag:s0] =	ssyncadd.tile.s32 @!p0 $0x1;
	_ =	shalt  }
.Lfunc_end2:
_tile_overlayer_lowered:
.L_overlay_start_2:
0x16a: {  	(tag) =	ssettag $0x2  }
0x16b: {  	s0 =	rddreg [dreg:$0x0];
	s2 =	stileid.u32  }
0x16c: {  	s1 =	rddreg [dreg:$0x1];
	p0 =	sne.s32 s2, $0x0  }
0x16d: {  	s3 =	rddreg [dreg:$0x2];
	[bflag:$0x3] =	sbarrier.arrive $0xFFFF;
	s2 =	simm.s32 @!p0 $0x1C05  }
0x16e: {  	[timem:s3], [sflag:s2] =	dma.local @!p0 [hbm:s0], s1  }
0x16f: {  	s0 =	simm.s32 @!p0 $0x5  }
0x170: {  	_ =	swait.ge @!p0 [sflag:s0], s1  }
0x171: {  	s1 =	ssub.s32 @!p0 $0x0, s1;
	[sflag:s0] =	ssyncset.done @!p0 $0x0  }
0x172: {  	[sflag:s0] =	ssyncadd.s32 @!p0 s1  }
0x173: {  	[bflag:$0x3] =	sbarrier.arrive $0xFFFF  }
0x174: {  	_ =	shalt  }

</sc_bundles>
